<compile_context>
chip_gen: v7x
topology: tpu7x:2x2x1
jax: 0.10.2.dev20260603
libtpu: 0.0.44.dev20260713+nightly
codegen_flags: <defaults>
</compile_context>

<pallas_src>
import math

import jax
import jax.numpy as jnp
import numpy as np
from jax import lax
from jax.experimental import pallas as pl
from jax.experimental.pallas import tpu as pltpu
from jax.experimental.pallas import tpu_sc as plsc

_B, _L, _D = 4, 8192, 768
_MISSING_RATE = 0.3
_KEEP = math.ceil(_L * (1.0 - _MISSING_RATE))

_TILES_PER_BATCH = 8
_CHUNK = 80
_NCHUNK = 9
_ROWS_PER_TILE = _NCHUNK * _CHUNK
_TAIL_START = _KEEP - _CHUNK


def _build_index_table() -> np.ndarray:
    rng = np.random.RandomState(0)
    keep = rng.choice(_L, _KEEP, replace=False)
    keep.sort()
    keep[0] = 0
    table = np.zeros((_B * _TILES_PER_BATCH, _NCHUNK + 1, _CHUNK), dtype=np.int32)
    for b in range(_B):
        src = b * _L + keep
        for t in range(_TILES_PER_BATCH):
            w = b * _TILES_PER_BATCH + t
            base = t * _ROWS_PER_TILE
            if t < _TILES_PER_BATCH - 1:
                table[w, :_NCHUNK] = src[base : base + _ROWS_PER_TILE].reshape(
                    _NCHUNK, _CHUNK
                )
            else:
                table[w].reshape(-1)[: 8 * _CHUNK] = src[base : base + 8 * _CHUNK]
                table[w, 8, :] = src[_TAIL_START:_KEEP]
                table[w, _NCHUNK, :] = np.arange(_TAIL_START, _KEEP, dtype=np.int32)
    return table


_IDX_TABLE = _build_index_table()

_mesh = plsc.VectorSubcoreMesh(core_axis_name="c", subcore_axis_name="s")


@jax.jit
def _gather_rows(x2d: jax.Array, idx_table: jax.Array) -> jax.Array:
    @pl.kernel(
        mesh=_mesh,
        out_type=jax.ShapeDtypeStruct((_B, _KEEP, _D), jnp.float32),
        scratch_types=[
            pltpu.VMEM((_NCHUNK + 1, _CHUNK), jnp.int32),
            pltpu.VMEM((_CHUNK, _D), jnp.float32),
            pltpu.VMEM((_CHUNK, _D), jnp.float32),
            pltpu.SemaphoreType.DMA,
            pltpu.SemaphoreType.DMA,
            pltpu.SemaphoreType.DMA,
            pltpu.SemaphoreType.DMA,
        ],
    )
    def k(x_hbm, idx_hbm, out_hbm, idx_v, buf0, buf1, g0, g1, c0, c1):
        wid = lax.axis_index("s") * 2 + lax.axis_index("c")
        batch = wid // _TILES_PER_BATCH
        t = wid % _TILES_PER_BATCH
        base = t * _ROWS_PER_TILE
        is_tail = t == _TILES_PER_BATCH - 1
        not_tail = t != _TILES_PER_BATCH - 1
        pltpu.sync_copy(idx_hbm.at[wid], idx_v)
        bufs = (buf0, buf1)
        gsems = (g0, g1)
        csems = (c0, c1)
        gathers = [None] * _NCHUNK

        def start_gather(c):
            gathers[c] = pltpu.async_copy(
                x_hbm.at[idx_v.at[c]], bufs[c % 2], gsems[c % 2]
            )

        def linear_out(c):
            return pltpu.make_async_copy(
                bufs[c % 2],
                out_hbm.at[batch].at[pl.ds(base + c * _CHUNK, _CHUNK)],
                csems[c % 2],
            )

        def scatter_tail():
            return pltpu.make_async_copy(
                bufs[8 % 2], out_hbm.at[batch].at[idx_v.at[_NCHUNK]], csems[8 % 2]
            )

        start_gather(0)
        start_gather(1)
        for c in range(_NCHUNK):
            if c >= 2:
                linear_out(c - 2).wait()
                start_gather(c)
            gathers[c].wait()
            if c == _NCHUNK - 1:
                @pl.when(not_tail)
                def _():
                    linear_out(c).start()

                @pl.when(is_tail)
                def _():
                    scatter_tail().start()
            else:
                linear_out(c).start()

        linear_out(_NCHUNK - 2).wait()

        @pl.when(not_tail)
        def _():
            linear_out(_NCHUNK - 1).wait()

        @pl.when(is_tail)
        def _():
            scatter_tail().wait()

    return k(x2d, idx_table)


def kernel(x):
    x2d = x.reshape(_B * _L, _D)
    return _gather_rows(x2d, jnp.asarray(_IDX_TABLE))

# --- scband reference (transcript-rebuilt; emitter-appended) ---
"""Pipeline reference for scband-missing-sampler-8495445311996 (READ-ONLY COPY).

The authoritative reference and input builder live on the scoring server;
editing this copy changes nothing except your own understanding.
"""

import math
import jax, jax.numpy as jnp
import numpy as np


def setup_inputs(seed: int = 0) -> dict:
    key = jax.random.key(seed)
    x = jax.random.normal(key, (4, 8192, 768), dtype=jnp.float32)
    return {"x": x}


def reference(x):
    missing_rate = 0.3
    L = x.shape[1]
    # Deterministic stand-in for np.random.choice in the torch module
    rng = np.random.RandomState(0)
    missing_idx = rng.choice(L, math.ceil(L * (1 - missing_rate)), replace=False)
    missing_idx.sort()
    missing_idx[0] = 0
    idx = jnp.asarray(missing_idx, dtype=jnp.int32)
    out = jnp.take(x, idx, axis=1)
    # original torch code calls .detach() on the gathered tensor
    out = jax.lax.stop_gradient(out)
    return out

if __name__ == "__main__":
    import jax
    _d = setup_inputs()
    print(jax.jit(kernel)(*tuple(_d.values())))

</pallas_src>

<mosaic_0001>
#map = affine_map<(d0, d1) -> (0, 0)>
#map1 = affine_map<(d0, d1) -> (0, 0, 0)>
module attributes {stable_mosaic.version = 14 : i64} {
  func.func @k(%arg0: i32, %arg1: i32, %arg2: memref<32768x768xf32, #tpu.memory_space<hbm>>, %arg3: memref<32x10x80xi32, #tpu.memory_space<hbm>>, %arg4: memref<4x5735x768xf32, #tpu.memory_space<hbm>>, %arg5: memref<10x80xi32, #tpu.memory_space<vmem>>, %arg6: memref<80x768xf32, #tpu.memory_space<vmem>>, %arg7: memref<80x768xf32, #tpu.memory_space<vmem>>, %arg8: memref<!tpu.dma_semaphore, #tpu.memory_space<semaphore_mem>>, %arg9: memref<!tpu.dma_semaphore, #tpu.memory_space<semaphore_mem>>, %arg10: memref<!tpu.dma_semaphore, #tpu.memory_space<semaphore_mem>>, %arg11: memref<!tpu.dma_semaphore, #tpu.memory_space<semaphore_mem>>) attributes {dimension_semantics = [#tpu.dimension_semantics<core_parallel>, #tpu.dimension_semantics<subcore_parallel>], iteration_bounds = array<i64: 2, 16>, scalar_prefetch = 0 : i64, scratch_operands = 7 : i64, tpu.core_type = #tpu.core_type<sc_vector_subcore>, window_params = [{transform_indices = #map}, {transform_indices = #map1}, {transform_indices = #map1}]} {
    %mul3A = arith.constant 2 : i32
    %mul3A_0 = arith.muli %arg1, %mul3A : i32
    %add3A = arith.addi %mul3A_0, %arg0 : i32
    %jit3A = arith.constant 8 : i32
    %div3A = arith.divsi %add3A, %jit3A : i32
    %sign3A = arith.constant 0 : i32
    %sign3A_1 = arith.cmpi sgt, %add3A, %sign3A : i32
    %sign3A_2 = arith.extui %sign3A_1 : i1 to i32
    %sign3A_3 = arith.constant 0 : i32
    %sign3A_4 = arith.cmpi slt, %add3A, %sign3A_3 : i32
    %sign3A_5 = arith.extui %sign3A_4 : i1 to i32
    %sign3A_6 = arith.subi %sign3A_2, %sign3A_5 : i32
    %sign3A_7 = arith.constant 0 : i32
    %sign3A_8 = arith.cmpi sgt, %jit3A, %sign3A_7 : i32
    %sign3A_9 = arith.extui %sign3A_8 : i1 to i32
    %sign3A_10 = arith.constant 0 : i32
    %sign3A_11 = arith.cmpi slt, %jit3A, %sign3A_10 : i32
    %sign3A_12 = arith.extui %sign3A_11 : i1 to i32
    %sign3A_13 = arith.subi %sign3A_9, %sign3A_12 : i32
    %ne3A = arith.cmpi ne, %sign3A_6, %sign3A_13 : i32
    %rem3A = arith.remsi %add3A, %jit3A : i32
    %ne3A_14 = arith.constant 0 : i32
    %ne3A_15 = arith.cmpi ne, %rem3A, %ne3A_14 : i32
    %and3A = arith.andi %ne3A, %ne3A_15 : i1
    %sub3A = arith.constant 1 : i32
    %sub3A_16 = arith.subi %div3A, %sub3A : i32
    %select_n3A = arith.select %and3A, %sub3A_16, %div3A : i32
    %jit3A_17 = arith.constant 8 : i32
    %eq3A = arith.constant 0 : i32
    %eq3A_18 = arith.cmpi eq, %jit3A_17, %eq3A : i32
    %jit3A_19 = arith.constant 1 : i32
    %select_n3A_20 = arith.select %eq3A_18, %jit3A_19, %jit3A_17 : i32
    %rem3A_21 = arith.remsi %add3A, %select_n3A_20 : i32
    %ne3A_22 = arith.constant 0 : i32
    %ne3A_23 = arith.cmpi ne, %rem3A_21, %ne3A_22 : i32
    %lt3A = arith.constant 0 : i32
    %lt3A_24 = arith.cmpi slt, %rem3A_21, %lt3A : i32
    %lt3A_25 = arith.constant 0 : i32
    %lt3A_26 = arith.cmpi slt, %select_n3A_20, %lt3A_25 : i32
    %ne3A_27 = arith.xori %lt3A_24, %lt3A_26 : i1
    %and3A_28 = arith.andi %ne3A_27, %ne3A_23 : i1
    %add3A_29 = arith.addi %rem3A_21, %select_n3A_20 : i32
    %select_n3A_30 = arith.select %and3A_28, %add3A_29, %rem3A_21 : i32
    %mul3A_31 = arith.constant 720 : i32
    %mul3A_32 = arith.muli %select_n3A_30, %mul3A_31 : i32
    %eq3A_33 = arith.constant 7 : i32
    %eq3A_34 = arith.cmpi eq, %select_n3A_30, %eq3A_33 : i32
    %ne3A_35 = arith.constant 7 : i32
    %ne3A_36 = arith.cmpi ne, %select_n3A_30, %ne3A_35 : i32
    "tpu.region"() ({
      %run_scoped3A = tpu.sem_alloc : memref<!tpu.dma_semaphore, #tpu.memory_space<semaphore_mem>>
      %dma_start3A_395 = arith.constant 0 : i32
      %dma_start3A_396 = arith.constant 0 : i32
      %dma_start3A_397 = tpu.memref_slice %arg3[%add3A, %dma_start3A_395, %dma_start3A_396] : memref<32x10x80xi32, #tpu.memory_space<hbm>> -> memref<1x10x80xi32, #tpu.memory_space<hbm>>
      %dma_start3A_398 = tpu.memref_squeeze %dma_start3A_397 : memref<1x10x80xi32, #tpu.memory_space<hbm>> -> memref<10x80xi32, #tpu.memory_space<hbm>>
      %dma_start3A_399 = arith.constant 0 : i32
      %dma_start3A_400 = arith.constant 0 : i32
      %dma_start3A_401 = tpu.memref_slice %arg3[%add3A, %dma_start3A_399, %dma_start3A_400] : memref<32x10x80xi32, #tpu.memory_space<hbm>> -> memref<1x10x80xi32, #tpu.memory_space<hbm>>
      %dma_start3A_402 = tpu.memref_squeeze %dma_start3A_401 : memref<1x10x80xi32, #tpu.memory_space<hbm>> -> memref<10x80xi32, #tpu.memory_space<hbm>>
      tpu.enqueue_dma source(%dma_start3A_402 : memref<10x80xi32, #tpu.memory_space<hbm>>) target(%arg5 : memref<10x80xi32, #tpu.memory_space<vmem>>) target_semaphore(%run_scoped3A : memref<!tpu.dma_semaphore, #tpu.memory_space<semaphore_mem>>)
      %dma_wait3A_403 = arith.constant 0 : i32
      %dma_wait3A_404 = arith.constant 0 : i32
      %dma_wait3A_405 = tpu.memref_slice %arg3[%add3A, %dma_wait3A_403, %dma_wait3A_404] : memref<32x10x80xi32, #tpu.memory_space<hbm>> -> memref<1x10x80xi32, #tpu.memory_space<hbm>>
      %dma_wait3A_406 = tpu.memref_squeeze %dma_wait3A_405 : memref<1x10x80xi32, #tpu.memory_space<hbm>> -> memref<10x80xi32, #tpu.memory_space<hbm>>
      %dma_wait3A_407 = arith.constant 0 : i32
      %dma_wait3A_408 = arith.constant 0 : i32
      %dma_wait3A_409 = tpu.memref_slice %arg3[%add3A, %dma_wait3A_407, %dma_wait3A_408] : memref<32x10x80xi32, #tpu.memory_space<hbm>> -> memref<1x10x80xi32, #tpu.memory_space<hbm>>
      %dma_wait3A_410 = tpu.memref_squeeze %dma_wait3A_409 : memref<1x10x80xi32, #tpu.memory_space<hbm>> -> memref<10x80xi32, #tpu.memory_space<hbm>>
      tpu.wait_dma2 semaphore(%run_scoped3A : memref<!tpu.dma_semaphore, #tpu.memory_space<semaphore_mem>>) src(%dma_wait3A_410 : memref<10x80xi32, #tpu.memory_space<hbm>>) dst(%arg5 : memref<10x80xi32, #tpu.memory_space<vmem>>)
      tpu.yield
    }) : () -> ()
    %dma_start3A = arith.constant 0 : i32
    %dma_start3A_37 = arith.constant 0 : i32
    %dma_start3A_38 = tpu.memref_slice %arg5[%dma_start3A, %dma_start3A_37] : memref<10x80xi32, #tpu.memory_space<vmem>> -> memref<1x80xi32, #tpu.memory_space<vmem>>
    %dma_start3A_39 = tpu.memref_squeeze %dma_start3A_38 : memref<1x80xi32, #tpu.memory_space<vmem>> -> memref<80xi32, #tpu.memory_space<vmem>>
    %dma_start3A_40 = arith.constant 0 : i32
    %dma_start3A_41 = arith.constant 0 : i32
    %dma_start3A_42 = tpu.memref_slice %arg2[%dma_start3A_40, %dma_start3A_41] : memref<32768x768xf32, #tpu.memory_space<hbm>> -> memref<32768x768xf32, #tpu.memory_space<hbm>>
    tpu.enqueue_indirect_dma source(%dma_start3A_42 : memref<32768x768xf32, #tpu.memory_space<hbm>>) target(%arg6 : memref<80x768xf32, #tpu.memory_space<vmem>>) offsets(%dma_start3A_39 : memref<80xi32, #tpu.memory_space<vmem>>) semaphore(%arg8 : memref<!tpu.dma_semaphore, #tpu.memory_space<semaphore_mem>>)
    %dma_start3A_43 = arith.constant 1 : i32
    %dma_start3A_44 = arith.constant 0 : i32
    %dma_start3A_45 = tpu.memref_slice %arg5[%dma_start3A_43, %dma_start3A_44] : memref<10x80xi32, #tpu.memory_space<vmem>> -> memref<1x80xi32, #tpu.memory_space<vmem>>
    %dma_start3A_46 = tpu.memref_squeeze %dma_start3A_45 : memref<1x80xi32, #tpu.memory_space<vmem>> -> memref<80xi32, #tpu.memory_space<vmem>>
    %dma_start3A_47 = arith.constant 0 : i32
    %dma_start3A_48 = arith.constant 0 : i32
    %dma_start3A_49 = tpu.memref_slice %arg2[%dma_start3A_47, %dma_start3A_48] : memref<32768x768xf32, #tpu.memory_space<hbm>> -> memref<32768x768xf32, #tpu.memory_space<hbm>>
    tpu.enqueue_indirect_dma source(%dma_start3A_49 : memref<32768x768xf32, #tpu.memory_space<hbm>>) target(%arg7 : memref<80x768xf32, #tpu.memory_space<vmem>>) offsets(%dma_start3A_46 : memref<80xi32, #tpu.memory_space<vmem>>) semaphore(%arg9 : memref<!tpu.dma_semaphore, #tpu.memory_space<semaphore_mem>>)
    %dma_wait3A = arith.constant 0 : i32
    %dma_wait3A_50 = arith.constant 0 : i32
    %dma_wait3A_51 = tpu.memref_slice %arg5[%dma_wait3A, %dma_wait3A_50] : memref<10x80xi32, #tpu.memory_space<vmem>> -> memref<1x80xi32, #tpu.memory_space<vmem>>
    %dma_wait3A_52 = tpu.memref_squeeze %dma_wait3A_51 : memref<1x80xi32, #tpu.memory_space<vmem>> -> memref<80xi32, #tpu.memory_space<vmem>>
    %dma_wait3A_53 = arith.constant 0 : i32
    %dma_wait3A_54 = arith.constant 0 : i32
    %dma_wait3A_55 = tpu.memref_slice %arg2[%dma_wait3A_53, %dma_wait3A_54] : memref<32768x768xf32, #tpu.memory_space<hbm>> -> memref<32768x768xf32, #tpu.memory_space<hbm>>
    tpu.wait_indirect_dma semaphore(%arg8 : memref<!tpu.dma_semaphore, #tpu.memory_space<semaphore_mem>>) src(%dma_wait3A_55 : memref<32768x768xf32, #tpu.memory_space<hbm>>) dst(%arg6 : memref<80x768xf32, #tpu.memory_space<vmem>>)
    %add3A_56 = arith.constant 0 : i32
    %add3A_57 = arith.addi %mul3A_32, %add3A_56 : i32
    %dma_start3A_58 = arith.constant 0 : i32
    %dma_start3A_59 = arith.constant 0 : i32
    %dma_start3A_60 = tpu.memref_slice %arg4[%select_n3A, %dma_start3A_58, %dma_start3A_59] : memref<4x5735x768xf32, #tpu.memory_space<hbm>> -> memref<1x5735x768xf32, #tpu.memory_space<hbm>>
    %dma_start3A_61 = tpu.memref_squeeze %dma_start3A_60 : memref<1x5735x768xf32, #tpu.memory_space<hbm>> -> memref<5735x768xf32, #tpu.memory_space<hbm>>
    %dma_start3A_62 = arith.constant 0 : i32
    %dma_start3A_63 = tpu.memref_slice %dma_start3A_61[%add3A_57, %dma_start3A_62] : memref<5735x768xf32, #tpu.memory_space<hbm>> -> memref<80x768xf32, #tpu.memory_space<hbm>>
    %dma_start3A_64 = arith.constant 0 : i32
    %dma_start3A_65 = arith.constant 0 : i32
    %dma_start3A_66 = tpu.memref_slice %arg4[%select_n3A, %dma_start3A_64, %dma_start3A_65] : memref<4x5735x768xf32, #tpu.memory_space<hbm>> -> memref<1x5735x768xf32, #tpu.memory_space<hbm>>
    %dma_start3A_67 = tpu.memref_squeeze %dma_start3A_66 : memref<1x5735x768xf32, #tpu.memory_space<hbm>> -> memref<5735x768xf32, #tpu.memory_space<hbm>>
    %dma_start3A_68 = arith.constant 0 : i32
    %dma_start3A_69 = tpu.memref_slice %dma_start3A_67[%add3A_57, %dma_start3A_68] : memref<5735x768xf32, #tpu.memory_space<hbm>> -> memref<80x768xf32, #tpu.memory_space<hbm>>
    tpu.enqueue_dma source(%arg6 : memref<80x768xf32, #tpu.memory_space<vmem>>) target(%dma_start3A_69 : memref<80x768xf32, #tpu.memory_space<hbm>>) target_semaphore(%arg10 : memref<!tpu.dma_semaphore, #tpu.memory_space<semaphore_mem>>)
    %dma_wait3A_70 = arith.constant 1 : i32
    %dma_wait3A_71 = arith.constant 0 : i32
    %dma_wait3A_72 = tpu.memref_slice %arg5[%dma_wait3A_70, %dma_wait3A_71] : memref<10x80xi32, #tpu.memory_space<vmem>> -> memref<1x80xi32, #tpu.memory_space<vmem>>
    %dma_wait3A_73 = tpu.memref_squeeze %dma_wait3A_72 : memref<1x80xi32, #tpu.memory_space<vmem>> -> memref<80xi32, #tpu.memory_space<vmem>>
    %dma_wait3A_74 = arith.constant 0 : i32
    %dma_wait3A_75 = arith.constant 0 : i32
    %dma_wait3A_76 = tpu.memref_slice %arg2[%dma_wait3A_74, %dma_wait3A_75] : memref<32768x768xf32, #tpu.memory_space<hbm>> -> memref<32768x768xf32, #tpu.memory_space<hbm>>
    tpu.wait_indirect_dma semaphore(%arg9 : memref<!tpu.dma_semaphore, #tpu.memory_space<semaphore_mem>>) src(%dma_wait3A_76 : memref<32768x768xf32, #tpu.memory_space<hbm>>) dst(%arg7 : memref<80x768xf32, #tpu.memory_space<vmem>>)
    %add3A_77 = arith.constant 80 : i32
    %add3A_78 = arith.addi %mul3A_32, %add3A_77 : i32
    %dma_start3A_79 = arith.constant 0 : i32
    %dma_start3A_80 = arith.constant 0 : i32
    %dma_start3A_81 = tpu.memref_slice %arg4[%select_n3A, %dma_start3A_79, %dma_start3A_80] : memref<4x5735x768xf32, #tpu.memory_space<hbm>> -> memref<1x5735x768xf32, #tpu.memory_space<hbm>>
    %dma_start3A_82 = tpu.memref_squeeze %dma_start3A_81 : memref<1x5735x768xf32, #tpu.memory_space<hbm>> -> memref<5735x768xf32, #tpu.memory_space<hbm>>
    %dma_start3A_83 = arith.constant 0 : i32
    %dma_start3A_84 = tpu.memref_slice %dma_start3A_82[%add3A_78, %dma_start3A_83] : memref<5735x768xf32, #tpu.memory_space<hbm>> -> memref<80x768xf32, #tpu.memory_space<hbm>>
    %dma_start3A_85 = arith.constant 0 : i32
    %dma_start3A_86 = arith.constant 0 : i32
    %dma_start3A_87 = tpu.memref_slice %arg4[%select_n3A, %dma_start3A_85, %dma_start3A_86] : memref<4x5735x768xf32, #tpu.memory_space<hbm>> -> memref<1x5735x768xf32, #tpu.memory_space<hbm>>
    %dma_start3A_88 = tpu.memref_squeeze %dma_start3A_87 : memref<1x5735x768xf32, #tpu.memory_space<hbm>> -> memref<5735x768xf32, #tpu.memory_space<hbm>>
    %dma_start3A_89 = arith.constant 0 : i32
    %dma_start3A_90 = tpu.memref_slice %dma_start3A_88[%add3A_78, %dma_start3A_89] : memref<5735x768xf32, #tpu.memory_space<hbm>> -> memref<80x768xf32, #tpu.memory_space<hbm>>
    tpu.enqueue_dma source(%arg7 : memref<80x768xf32, #tpu.memory_space<vmem>>) target(%dma_start3A_90 : memref<80x768xf32, #tpu.memory_space<hbm>>) target_semaphore(%arg11 : memref<!tpu.dma_semaphore, #tpu.memory_space<semaphore_mem>>)
    %add3A_91 = arith.constant 0 : i32
    %add3A_92 = arith.addi %mul3A_32, %add3A_91 : i32
    %dma_wait3A_93 = arith.constant 0 : i32
    %dma_wait3A_94 = arith.constant 0 : i32
    %dma_wait3A_95 = tpu.memref_slice %arg4[%select_n3A, %dma_wait3A_93, %dma_wait3A_94] : memref<4x5735x768xf32, #tpu.memory_space<hbm>> -> memref<1x5735x768xf32, #tpu.memory_space<hbm>>
    %dma_wait3A_96 = tpu.memref_squeeze %dma_wait3A_95 : memref<1x5735x768xf32, #tpu.memory_space<hbm>> -> memref<5735x768xf32, #tpu.memory_space<hbm>>
    %dma_wait3A_97 = arith.constant 0 : i32
    %dma_wait3A_98 = tpu.memref_slice %dma_wait3A_96[%add3A_92, %dma_wait3A_97] : memref<5735x768xf32, #tpu.memory_space<hbm>> -> memref<80x768xf32, #tpu.memory_space<hbm>>
    %dma_wait3A_99 = arith.constant 0 : i32
    %dma_wait3A_100 = arith.constant 0 : i32
    %dma_wait3A_101 = tpu.memref_slice %arg4[%select_n3A, %dma_wait3A_99, %dma_wait3A_100] : memref<4x5735x768xf32, #tpu.memory_space<hbm>> -> memref<1x5735x768xf32, #tpu.memory_space<hbm>>
    %dma_wait3A_102 = tpu.memref_squeeze %dma_wait3A_101 : memref<1x5735x768xf32, #tpu.memory_space<hbm>> -> memref<5735x768xf32, #tpu.memory_space<hbm>>
    %dma_wait3A_103 = arith.constant 0 : i32
    %dma_wait3A_104 = tpu.memref_slice %dma_wait3A_102[%add3A_92, %dma_wait3A_103] : memref<5735x768xf32, #tpu.memory_space<hbm>> -> memref<80x768xf32, #tpu.memory_space<hbm>>
    tpu.wait_dma2 semaphore(%arg10 : memref<!tpu.dma_semaphore, #tpu.memory_space<semaphore_mem>>) src(%arg6 : memref<80x768xf32, #tpu.memory_space<vmem>>) dst(%dma_wait3A_104 : memref<80x768xf32, #tpu.memory_space<hbm>>)
    %dma_start3A_105 = arith.constant 2 : i32
    %dma_start3A_106 = arith.constant 0 : i32
    %dma_start3A_107 = tpu.memref_slice %arg5[%dma_start3A_105, %dma_start3A_106] : memref<10x80xi32, #tpu.memory_space<vmem>> -> memref<1x80xi32, #tpu.memory_space<vmem>>
    %dma_start3A_108 = tpu.memref_squeeze %dma_start3A_107 : memref<1x80xi32, #tpu.memory_space<vmem>> -> memref<80xi32, #tpu.memory_space<vmem>>
    %dma_start3A_109 = arith.constant 0 : i32
    %dma_start3A_110 = arith.constant 0 : i32
    %dma_start3A_111 = tpu.memref_slice %arg2[%dma_start3A_109, %dma_start3A_110] : memref<32768x768xf32, #tpu.memory_space<hbm>> -> memref<32768x768xf32, #tpu.memory_space<hbm>>
    tpu.enqueue_indirect_dma source(%dma_start3A_111 : memref<32768x768xf32, #tpu.memory_space<hbm>>) target(%arg6 : memref<80x768xf32, #tpu.memory_space<vmem>>) offsets(%dma_start3A_108 : memref<80xi32, #tpu.memory_space<vmem>>) semaphore(%arg8 : memref<!tpu.dma_semaphore, #tpu.memory_space<semaphore_mem>>)
    %dma_wait3A_112 = arith.constant 2 : i32
    %dma_wait3A_113 = arith.constant 0 : i32
    %dma_wait3A_114 = tpu.memref_slice %arg5[%dma_wait3A_112, %dma_wait3A_113] : memref<10x80xi32, #tpu.memory_space<vmem>> -> memref<1x80xi32, #tpu.memory_space<vmem>>
    %dma_wait3A_115 = tpu.memref_squeeze %dma_wait3A_114 : memref<1x80xi32, #tpu.memory_space<vmem>> -> memref<80xi32, #tpu.memory_space<vmem>>
    %dma_wait3A_116 = arith.constant 0 : i32
    %dma_wait3A_117 = arith.constant 0 : i32
    %dma_wait3A_118 = tpu.memref_slice %arg2[%dma_wait3A_116, %dma_wait3A_117] : memref<32768x768xf32, #tpu.memory_space<hbm>> -> memref<32768x768xf32, #tpu.memory_space<hbm>>
    tpu.wait_indirect_dma semaphore(%arg8 : memref<!tpu.dma_semaphore, #tpu.memory_space<semaphore_mem>>) src(%dma_wait3A_118 : memref<32768x768xf32, #tpu.memory_space<hbm>>) dst(%arg6 : memref<80x768xf32, #tpu.memory_space<vmem>>)
    %add3A_119 = arith.constant 160 : i32
    %add3A_120 = arith.addi %mul3A_32, %add3A_119 : i32
    %dma_start3A_121 = arith.constant 0 : i32
    %dma_start3A_122 = arith.constant 0 : i32
    %dma_start3A_123 = tpu.memref_slice %arg4[%select_n3A, %dma_start3A_121, %dma_start3A_122] : memref<4x5735x768xf32, #tpu.memory_space<hbm>> -> memref<1x5735x768xf32, #tpu.memory_space<hbm>>
    %dma_start3A_124 = tpu.memref_squeeze %dma_start3A_123 : memref<1x5735x768xf32, #tpu.memory_space<hbm>> -> memref<5735x768xf32, #tpu.memory_space<hbm>>
    %dma_start3A_125 = arith.constant 0 : i32
    %dma_start3A_126 = tpu.memref_slice %dma_start3A_124[%add3A_120, %dma_start3A_125] : memref<5735x768xf32, #tpu.memory_space<hbm>> -> memref<80x768xf32, #tpu.memory_space<hbm>>
    %dma_start3A_127 = arith.constant 0 : i32
    %dma_start3A_128 = arith.constant 0 : i32
    %dma_start3A_129 = tpu.memref_slice %arg4[%select_n3A, %dma_start3A_127, %dma_start3A_128] : memref<4x5735x768xf32, #tpu.memory_space<hbm>> -> memref<1x5735x768xf32, #tpu.memory_space<hbm>>
    %dma_start3A_130 = tpu.memref_squeeze %dma_start3A_129 : memref<1x5735x768xf32, #tpu.memory_space<hbm>> -> memref<5735x768xf32, #tpu.memory_space<hbm>>
    %dma_start3A_131 = arith.constant 0 : i32
    %dma_start3A_132 = tpu.memref_slice %dma_start3A_130[%add3A_120, %dma_start3A_131] : memref<5735x768xf32, #tpu.memory_space<hbm>> -> memref<80x768xf32, #tpu.memory_space<hbm>>
    tpu.enqueue_dma source(%arg6 : memref<80x768xf32, #tpu.memory_space<vmem>>) target(%dma_start3A_132 : memref<80x768xf32, #tpu.memory_space<hbm>>) target_semaphore(%arg10 : memref<!tpu.dma_semaphore, #tpu.memory_space<semaphore_mem>>)
    %add3A_133 = arith.constant 80 : i32
    %add3A_134 = arith.addi %mul3A_32, %add3A_133 : i32
    %dma_wait3A_135 = arith.constant 0 : i32
    %dma_wait3A_136 = arith.constant 0 : i32
    %dma_wait3A_137 = tpu.memref_slice %arg4[%select_n3A, %dma_wait3A_135, %dma_wait3A_136] : memref<4x5735x768xf32, #tpu.memory_space<hbm>> -> memref<1x5735x768xf32, #tpu.memory_space<hbm>>
    %dma_wait3A_138 = tpu.memref_squeeze %dma_wait3A_137 : memref<1x5735x768xf32, #tpu.memory_space<hbm>> -> memref<5735x768xf32, #tpu.memory_space<hbm>>
    %dma_wait3A_139 = arith.constant 0 : i32
    %dma_wait3A_140 = tpu.memref_slice %dma_wait3A_138[%add3A_134, %dma_wait3A_139] : memref<5735x768xf32, #tpu.memory_space<hbm>> -> memref<80x768xf32, #tpu.memory_space<hbm>>
    %dma_wait3A_141 = arith.constant 0 : i32
    %dma_wait3A_142 = arith.constant 0 : i32
    %dma_wait3A_143 = tpu.memref_slice %arg4[%select_n3A, %dma_wait3A_141, %dma_wait3A_142] : memref<4x5735x768xf32, #tpu.memory_space<hbm>> -> memref<1x5735x768xf32, #tpu.memory_space<hbm>>
    %dma_wait3A_144 = tpu.memref_squeeze %dma_wait3A_143 : memref<1x5735x768xf32, #tpu.memory_space<hbm>> -> memref<5735x768xf32, #tpu.memory_space<hbm>>
    %dma_wait3A_145 = arith.constant 0 : i32
    %dma_wait3A_146 = tpu.memref_slice %dma_wait3A_144[%add3A_134, %dma_wait3A_145] : memref<5735x768xf32, #tpu.memory_space<hbm>> -> memref<80x768xf32, #tpu.memory_space<hbm>>
    tpu.wait_dma2 semaphore(%arg11 : memref<!tpu.dma_semaphore, #tpu.memory_space<semaphore_mem>>) src(%arg7 : memref<80x768xf32, #tpu.memory_space<vmem>>) dst(%dma_wait3A_146 : memref<80x768xf32, #tpu.memory_space<hbm>>)
    %dma_start3A_147 = arith.constant 3 : i32
    %dma_start3A_148 = arith.constant 0 : i32
    %dma_start3A_149 = tpu.memref_slice %arg5[%dma_start3A_147, %dma_start3A_148] : memref<10x80xi32, #tpu.memory_space<vmem>> -> memref<1x80xi32, #tpu.memory_space<vmem>>
    %dma_start3A_150 = tpu.memref_squeeze %dma_start3A_149 : memref<1x80xi32, #tpu.memory_space<vmem>> -> memref<80xi32, #tpu.memory_space<vmem>>
    %dma_start3A_151 = arith.constant 0 : i32
    %dma_start3A_152 = arith.constant 0 : i32
    %dma_start3A_153 = tpu.memref_slice %arg2[%dma_start3A_151, %dma_start3A_152] : memref<32768x768xf32, #tpu.memory_space<hbm>> -> memref<32768x768xf32, #tpu.memory_space<hbm>>
    tpu.enqueue_indirect_dma source(%dma_start3A_153 : memref<32768x768xf32, #tpu.memory_space<hbm>>) target(%arg7 : memref<80x768xf32, #tpu.memory_space<vmem>>) offsets(%dma_start3A_150 : memref<80xi32, #tpu.memory_space<vmem>>) semaphore(%arg9 : memref<!tpu.dma_semaphore, #tpu.memory_space<semaphore_mem>>)
    %dma_wait3A_154 = arith.constant 3 : i32
    %dma_wait3A_155 = arith.constant 0 : i32
    %dma_wait3A_156 = tpu.memref_slice %arg5[%dma_wait3A_154, %dma_wait3A_155] : memref<10x80xi32, #tpu.memory_space<vmem>> -> memref<1x80xi32, #tpu.memory_space<vmem>>
    %dma_wait3A_157 = tpu.memref_squeeze %dma_wait3A_156 : memref<1x80xi32, #tpu.memory_space<vmem>> -> memref<80xi32, #tpu.memory_space<vmem>>
    %dma_wait3A_158 = arith.constant 0 : i32
    %dma_wait3A_159 = arith.constant 0 : i32
    %dma_wait3A_160 = tpu.memref_slice %arg2[%dma_wait3A_158, %dma_wait3A_159] : memref<32768x768xf32, #tpu.memory_space<hbm>> -> memref<32768x768xf32, #tpu.memory_space<hbm>>
    tpu.wait_indirect_dma semaphore(%arg9 : memref<!tpu.dma_semaphore, #tpu.memory_space<semaphore_mem>>) src(%dma_wait3A_160 : memref<32768x768xf32, #tpu.memory_space<hbm>>) dst(%arg7 : memref<80x768xf32, #tpu.memory_space<vmem>>)
    %add3A_161 = arith.constant 240 : i32
    %add3A_162 = arith.addi %mul3A_32, %add3A_161 : i32
    %dma_start3A_163 = arith.constant 0 : i32
    %dma_start3A_164 = arith.constant 0 : i32
    %dma_start3A_165 = tpu.memref_slice %arg4[%select_n3A, %dma_start3A_163, %dma_start3A_164] : memref<4x5735x768xf32, #tpu.memory_space<hbm>> -> memref<1x5735x768xf32, #tpu.memory_space<hbm>>
    %dma_start3A_166 = tpu.memref_squeeze %dma_start3A_165 : memref<1x5735x768xf32, #tpu.memory_space<hbm>> -> memref<5735x768xf32, #tpu.memory_space<hbm>>
    %dma_start3A_167 = arith.constant 0 : i32
    %dma_start3A_168 = tpu.memref_slice %dma_start3A_166[%add3A_162, %dma_start3A_167] : memref<5735x768xf32, #tpu.memory_space<hbm>> -> memref<80x768xf32, #tpu.memory_space<hbm>>
    %dma_start3A_169 = arith.constant 0 : i32
    %dma_start3A_170 = arith.constant 0 : i32
    %dma_start3A_171 = tpu.memref_slice %arg4[%select_n3A, %dma_start3A_169, %dma_start3A_170] : memref<4x5735x768xf32, #tpu.memory_space<hbm>> -> memref<1x5735x768xf32, #tpu.memory_space<hbm>>
    %dma_start3A_172 = tpu.memref_squeeze %dma_start3A_171 : memref<1x5735x768xf32, #tpu.memory_space<hbm>> -> memref<5735x768xf32, #tpu.memory_space<hbm>>
    %dma_start3A_173 = arith.constant 0 : i32
    %dma_start3A_174 = tpu.memref_slice %dma_start3A_172[%add3A_162, %dma_start3A_173] : memref<5735x768xf32, #tpu.memory_space<hbm>> -> memref<80x768xf32, #tpu.memory_space<hbm>>
    tpu.enqueue_dma source(%arg7 : memref<80x768xf32, #tpu.memory_space<vmem>>) target(%dma_start3A_174 : memref<80x768xf32, #tpu.memory_space<hbm>>) target_semaphore(%arg11 : memref<!tpu.dma_semaphore, #tpu.memory_space<semaphore_mem>>)
    %add3A_175 = arith.constant 160 : i32
    %add3A_176 = arith.addi %mul3A_32, %add3A_175 : i32
    %dma_wait3A_177 = arith.constant 0 : i32
    %dma_wait3A_178 = arith.constant 0 : i32
    %dma_wait3A_179 = tpu.memref_slice %arg4[%select_n3A, %dma_wait3A_177, %dma_wait3A_178] : memref<4x5735x768xf32, #tpu.memory_space<hbm>> -> memref<1x5735x768xf32, #tpu.memory_space<hbm>>
    %dma_wait3A_180 = tpu.memref_squeeze %dma_wait3A_179 : memref<1x5735x768xf32, #tpu.memory_space<hbm>> -> memref<5735x768xf32, #tpu.memory_space<hbm>>
    %dma_wait3A_181 = arith.constant 0 : i32
    %dma_wait3A_182 = tpu.memref_slice %dma_wait3A_180[%add3A_176, %dma_wait3A_181] : memref<5735x768xf32, #tpu.memory_space<hbm>> -> memref<80x768xf32, #tpu.memory_space<hbm>>
    %dma_wait3A_183 = arith.constant 0 : i32
    %dma_wait3A_184 = arith.constant 0 : i32
    %dma_wait3A_185 = tpu.memref_slice %arg4[%select_n3A, %dma_wait3A_183, %dma_wait3A_184] : memref<4x5735x768xf32, #tpu.memory_space<hbm>> -> memref<1x5735x768xf32, #tpu.memory_space<hbm>>
    %dma_wait3A_186 = tpu.memref_squeeze %dma_wait3A_185 : memref<1x5735x768xf32, #tpu.memory_space<hbm>> -> memref<5735x768xf32, #tpu.memory_space<hbm>>
    %dma_wait3A_187 = arith.constant 0 : i32
    %dma_wait3A_188 = tpu.memref_slice %dma_wait3A_186[%add3A_176, %dma_wait3A_187] : memref<5735x768xf32, #tpu.memory_space<hbm>> -> memref<80x768xf32, #tpu.memory_space<hbm>>
    tpu.wait_dma2 semaphore(%arg10 : memref<!tpu.dma_semaphore, #tpu.memory_space<semaphore_mem>>) src(%arg6 : memref<80x768xf32, #tpu.memory_space<vmem>>) dst(%dma_wait3A_188 : memref<80x768xf32, #tpu.memory_space<hbm>>)
    %dma_start3A_189 = arith.constant 4 : i32
    %dma_start3A_190 = arith.constant 0 : i32
    %dma_start3A_191 = tpu.memref_slice %arg5[%dma_start3A_189, %dma_start3A_190] : memref<10x80xi32, #tpu.memory_space<vmem>> -> memref<1x80xi32, #tpu.memory_space<vmem>>
    %dma_start3A_192 = tpu.memref_squeeze %dma_start3A_191 : memref<1x80xi32, #tpu.memory_space<vmem>> -> memref<80xi32, #tpu.memory_space<vmem>>
    %dma_start3A_193 = arith.constant 0 : i32
    %dma_start3A_194 = arith.constant 0 : i32
    %dma_start3A_195 = tpu.memref_slice %arg2[%dma_start3A_193, %dma_start3A_194] : memref<32768x768xf32, #tpu.memory_space<hbm>> -> memref<32768x768xf32, #tpu.memory_space<hbm>>
    tpu.enqueue_indirect_dma source(%dma_start3A_195 : memref<32768x768xf32, #tpu.memory_space<hbm>>) target(%arg6 : memref<80x768xf32, #tpu.memory_space<vmem>>) offsets(%dma_start3A_192 : memref<80xi32, #tpu.memory_space<vmem>>) semaphore(%arg8 : memref<!tpu.dma_semaphore, #tpu.memory_space<semaphore_mem>>)
    %dma_wait3A_196 = arith.constant 4 : i32
    %dma_wait3A_197 = arith.constant 0 : i32
    %dma_wait3A_198 = tpu.memref_slice %arg5[%dma_wait3A_196, %dma_wait3A_197] : memref<10x80xi32, #tpu.memory_space<vmem>> -> memref<1x80xi32, #tpu.memory_space<vmem>>
    %dma_wait3A_199 = tpu.memref_squeeze %dma_wait3A_198 : memref<1x80xi32, #tpu.memory_space<vmem>> -> memref<80xi32, #tpu.memory_space<vmem>>
    %dma_wait3A_200 = arith.constant 0 : i32
    %dma_wait3A_201 = arith.constant 0 : i32
    %dma_wait3A_202 = tpu.memref_slice %arg2[%dma_wait3A_200, %dma_wait3A_201] : memref<32768x768xf32, #tpu.memory_space<hbm>> -> memref<32768x768xf32, #tpu.memory_space<hbm>>
    tpu.wait_indirect_dma semaphore(%arg8 : memref<!tpu.dma_semaphore, #tpu.memory_space<semaphore_mem>>) src(%dma_wait3A_202 : memref<32768x768xf32, #tpu.memory_space<hbm>>) dst(%arg6 : memref<80x768xf32, #tpu.memory_space<vmem>>)
    %add3A_203 = arith.constant 320 : i32
    %add3A_204 = arith.addi %mul3A_32, %add3A_203 : i32
    %dma_start3A_205 = arith.constant 0 : i32
    %dma_start3A_206 = arith.constant 0 : i32
    %dma_start3A_207 = tpu.memref_slice %arg4[%select_n3A, %dma_start3A_205, %dma_start3A_206] : memref<4x5735x768xf32, #tpu.memory_space<hbm>> -> memref<1x5735x768xf32, #tpu.memory_space<hbm>>
    %dma_start3A_208 = tpu.memref_squeeze %dma_start3A_207 : memref<1x5735x768xf32, #tpu.memory_space<hbm>> -> memref<5735x768xf32, #tpu.memory_space<hbm>>
    %dma_start3A_209 = arith.constant 0 : i32
    %dma_start3A_210 = tpu.memref_slice %dma_start3A_208[%add3A_204, %dma_start3A_209] : memref<5735x768xf32, #tpu.memory_space<hbm>> -> memref<80x768xf32, #tpu.memory_space<hbm>>
    %dma_start3A_211 = arith.constant 0 : i32
    %dma_start3A_212 = arith.constant 0 : i32
    %dma_start3A_213 = tpu.memref_slice %arg4[%select_n3A, %dma_start3A_211, %dma_start3A_212] : memref<4x5735x768xf32, #tpu.memory_space<hbm>> -> memref<1x5735x768xf32, #tpu.memory_space<hbm>>
    %dma_start3A_214 = tpu.memref_squeeze %dma_start3A_213 : memref<1x5735x768xf32, #tpu.memory_space<hbm>> -> memref<5735x768xf32, #tpu.memory_space<hbm>>
    %dma_start3A_215 = arith.constant 0 : i32
    %dma_start3A_216 = tpu.memref_slice %dma_start3A_214[%add3A_204, %dma_start3A_215] : memref<5735x768xf32, #tpu.memory_space<hbm>> -> memref<80x768xf32, #tpu.memory_space<hbm>>
    tpu.enqueue_dma source(%arg6 : memref<80x768xf32, #tpu.memory_space<vmem>>) target(%dma_start3A_216 : memref<80x768xf32, #tpu.memory_space<hbm>>) target_semaphore(%arg10 : memref<!tpu.dma_semaphore, #tpu.memory_space<semaphore_mem>>)
    %add3A_217 = arith.constant 240 : i32
    %add3A_218 = arith.addi %mul3A_32, %add3A_217 : i32
    %dma_wait3A_219 = arith.constant 0 : i32
    %dma_wait3A_220 = arith.constant 0 : i32
    %dma_wait3A_221 = tpu.memref_slice %arg4[%select_n3A, %dma_wait3A_219, %dma_wait3A_220] : memref<4x5735x768xf32, #tpu.memory_space<hbm>> -> memref<1x5735x768xf32, #tpu.memory_space<hbm>>
    %dma_wait3A_222 = tpu.memref_squeeze %dma_wait3A_221 : memref<1x5735x768xf32, #tpu.memory_space<hbm>> -> memref<5735x768xf32, #tpu.memory_space<hbm>>
    %dma_wait3A_223 = arith.constant 0 : i32
    %dma_wait3A_224 = tpu.memref_slice %dma_wait3A_222[%add3A_218, %dma_wait3A_223] : memref<5735x768xf32, #tpu.memory_space<hbm>> -> memref<80x768xf32, #tpu.memory_space<hbm>>
    %dma_wait3A_225 = arith.constant 0 : i32
    %dma_wait3A_226 = arith.constant 0 : i32
    %dma_wait3A_227 = tpu.memref_slice %arg4[%select_n3A, %dma_wait3A_225, %dma_wait3A_226] : memref<4x5735x768xf32, #tpu.memory_space<hbm>> -> memref<1x5735x768xf32, #tpu.memory_space<hbm>>
    %dma_wait3A_228 = tpu.memref_squeeze %dma_wait3A_227 : memref<1x5735x768xf32, #tpu.memory_space<hbm>> -> memref<5735x768xf32, #tpu.memory_space<hbm>>
    %dma_wait3A_229 = arith.constant 0 : i32
    %dma_wait3A_230 = tpu.memref_slice %dma_wait3A_228[%add3A_218, %dma_wait3A_229] : memref<5735x768xf32, #tpu.memory_space<hbm>> -> memref<80x768xf32, #tpu.memory_space<hbm>>
    tpu.wait_dma2 semaphore(%arg11 : memref<!tpu.dma_semaphore, #tpu.memory_space<semaphore_mem>>) src(%arg7 : memref<80x768xf32, #tpu.memory_space<vmem>>) dst(%dma_wait3A_230 : memref<80x768xf32, #tpu.memory_space<hbm>>)
    %dma_start3A_231 = arith.constant 5 : i32
    %dma_start3A_232 = arith.constant 0 : i32
    %dma_start3A_233 = tpu.memref_slice %arg5[%dma_start3A_231, %dma_start3A_232] : memref<10x80xi32, #tpu.memory_space<vmem>> -> memref<1x80xi32, #tpu.memory_space<vmem>>
    %dma_start3A_234 = tpu.memref_squeeze %dma_start3A_233 : memref<1x80xi32, #tpu.memory_space<vmem>> -> memref<80xi32, #tpu.memory_space<vmem>>
    %dma_start3A_235 = arith.constant 0 : i32
    %dma_start3A_236 = arith.constant 0 : i32
    %dma_start3A_237 = tpu.memref_slice %arg2[%dma_start3A_235, %dma_start3A_236] : memref<32768x768xf32, #tpu.memory_space<hbm>> -> memref<32768x768xf32, #tpu.memory_space<hbm>>
    tpu.enqueue_indirect_dma source(%dma_start3A_237 : memref<32768x768xf32, #tpu.memory_space<hbm>>) target(%arg7 : memref<80x768xf32, #tpu.memory_space<vmem>>) offsets(%dma_start3A_234 : memref<80xi32, #tpu.memory_space<vmem>>) semaphore(%arg9 : memref<!tpu.dma_semaphore, #tpu.memory_space<semaphore_mem>>)
    %dma_wait3A_238 = arith.constant 5 : i32
    %dma_wait3A_239 = arith.constant 0 : i32
    %dma_wait3A_240 = tpu.memref_slice %arg5[%dma_wait3A_238, %dma_wait3A_239] : memref<10x80xi32, #tpu.memory_space<vmem>> -> memref<1x80xi32, #tpu.memory_space<vmem>>
    %dma_wait3A_241 = tpu.memref_squeeze %dma_wait3A_240 : memref<1x80xi32, #tpu.memory_space<vmem>> -> memref<80xi32, #tpu.memory_space<vmem>>
    %dma_wait3A_242 = arith.constant 0 : i32
    %dma_wait3A_243 = arith.constant 0 : i32
    %dma_wait3A_244 = tpu.memref_slice %arg2[%dma_wait3A_242, %dma_wait3A_243] : memref<32768x768xf32, #tpu.memory_space<hbm>> -> memref<32768x768xf32, #tpu.memory_space<hbm>>
    tpu.wait_indirect_dma semaphore(%arg9 : memref<!tpu.dma_semaphore, #tpu.memory_space<semaphore_mem>>) src(%dma_wait3A_244 : memref<32768x768xf32, #tpu.memory_space<hbm>>) dst(%arg7 : memref<80x768xf32, #tpu.memory_space<vmem>>)
    %add3A_245 = arith.constant 400 : i32
    %add3A_246 = arith.addi %mul3A_32, %add3A_245 : i32
    %dma_start3A_247 = arith.constant 0 : i32
    %dma_start3A_248 = arith.constant 0 : i32
    %dma_start3A_249 = tpu.memref_slice %arg4[%select_n3A, %dma_start3A_247, %dma_start3A_248] : memref<4x5735x768xf32, #tpu.memory_space<hbm>> -> memref<1x5735x768xf32, #tpu.memory_space<hbm>>
    %dma_start3A_250 = tpu.memref_squeeze %dma_start3A_249 : memref<1x5735x768xf32, #tpu.memory_space<hbm>> -> memref<5735x768xf32, #tpu.memory_space<hbm>>
    %dma_start3A_251 = arith.constant 0 : i32
    %dma_start3A_252 = tpu.memref_slice %dma_start3A_250[%add3A_246, %dma_start3A_251] : memref<5735x768xf32, #tpu.memory_space<hbm>> -> memref<80x768xf32, #tpu.memory_space<hbm>>
    %dma_start3A_253 = arith.constant 0 : i32
    %dma_start3A_254 = arith.constant 0 : i32
    %dma_start3A_255 = tpu.memref_slice %arg4[%select_n3A, %dma_start3A_253, %dma_start3A_254] : memref<4x5735x768xf32, #tpu.memory_space<hbm>> -> memref<1x5735x768xf32, #tpu.memory_space<hbm>>
    %dma_start3A_256 = tpu.memref_squeeze %dma_start3A_255 : memref<1x5735x768xf32, #tpu.memory_space<hbm>> -> memref<5735x768xf32, #tpu.memory_space<hbm>>
    %dma_start3A_257 = arith.constant 0 : i32
    %dma_start3A_258 = tpu.memref_slice %dma_start3A_256[%add3A_246, %dma_start3A_257] : memref<5735x768xf32, #tpu.memory_space<hbm>> -> memref<80x768xf32, #tpu.memory_space<hbm>>
    tpu.enqueue_dma source(%arg7 : memref<80x768xf32, #tpu.memory_space<vmem>>) target(%dma_start3A_258 : memref<80x768xf32, #tpu.memory_space<hbm>>) target_semaphore(%arg11 : memref<!tpu.dma_semaphore, #tpu.memory_space<semaphore_mem>>)
    %add3A_259 = arith.constant 320 : i32
    %add3A_260 = arith.addi %mul3A_32, %add3A_259 : i32
    %dma_wait3A_261 = arith.constant 0 : i32
    %dma_wait3A_262 = arith.constant 0 : i32
    %dma_wait3A_263 = tpu.memref_slice %arg4[%select_n3A, %dma_wait3A_261, %dma_wait3A_262] : memref<4x5735x768xf32, #tpu.memory_space<hbm>> -> memref<1x5735x768xf32, #tpu.memory_space<hbm>>
    %dma_wait3A_264 = tpu.memref_squeeze %dma_wait3A_263 : memref<1x5735x768xf32, #tpu.memory_space<hbm>> -> memref<5735x768xf32, #tpu.memory_space<hbm>>
    %dma_wait3A_265 = arith.constant 0 : i32
    %dma_wait3A_266 = tpu.memref_slice %dma_wait3A_264[%add3A_260, %dma_wait3A_265] : memref<5735x768xf32, #tpu.memory_space<hbm>> -> memref<80x768xf32, #tpu.memory_space<hbm>>
    %dma_wait3A_267 = arith.constant 0 : i32
    %dma_wait3A_268 = arith.constant 0 : i32
    %dma_wait3A_269 = tpu.memref_slice %arg4[%select_n3A, %dma_wait3A_267, %dma_wait3A_268] : memref<4x5735x768xf32, #tpu.memory_space<hbm>> -> memref<1x5735x768xf32, #tpu.memory_space<hbm>>
    %dma_wait3A_270 = tpu.memref_squeeze %dma_wait3A_269 : memref<1x5735x768xf32, #tpu.memory_space<hbm>> -> memref<5735x768xf32, #tpu.memory_space<hbm>>
    %dma_wait3A_271 = arith.constant 0 : i32
    %dma_wait3A_272 = tpu.memref_slice %dma_wait3A_270[%add3A_260, %dma_wait3A_271] : memref<5735x768xf32, #tpu.memory_space<hbm>> -> memref<80x768xf32, #tpu.memory_space<hbm>>
    tpu.wait_dma2 semaphore(%arg10 : memref<!tpu.dma_semaphore, #tpu.memory_space<semaphore_mem>>) src(%arg6 : memref<80x768xf32, #tpu.memory_space<vmem>>) dst(%dma_wait3A_272 : memref<80x768xf32, #tpu.memory_space<hbm>>)
    %dma_start3A_273 = arith.constant 6 : i32
    %dma_start3A_274 = arith.constant 0 : i32
    %dma_start3A_275 = tpu.memref_slice %arg5[%dma_start3A_273, %dma_start3A_274] : memref<10x80xi32, #tpu.memory_space<vmem>> -> memref<1x80xi32, #tpu.memory_space<vmem>>
    %dma_start3A_276 = tpu.memref_squeeze %dma_start3A_275 : memref<1x80xi32, #tpu.memory_space<vmem>> -> memref<80xi32, #tpu.memory_space<vmem>>
    %dma_start3A_277 = arith.constant 0 : i32
    %dma_start3A_278 = arith.constant 0 : i32
    %dma_start3A_279 = tpu.memref_slice %arg2[%dma_start3A_277, %dma_start3A_278] : memref<32768x768xf32, #tpu.memory_space<hbm>> -> memref<32768x768xf32, #tpu.memory_space<hbm>>
    tpu.enqueue_indirect_dma source(%dma_start3A_279 : memref<32768x768xf32, #tpu.memory_space<hbm>>) target(%arg6 : memref<80x768xf32, #tpu.memory_space<vmem>>) offsets(%dma_start3A_276 : memref<80xi32, #tpu.memory_space<vmem>>) semaphore(%arg8 : memref<!tpu.dma_semaphore, #tpu.memory_space<semaphore_mem>>)
    %dma_wait3A_280 = arith.constant 6 : i32
    %dma_wait3A_281 = arith.constant 0 : i32
    %dma_wait3A_282 = tpu.memref_slice %arg5[%dma_wait3A_280, %dma_wait3A_281] : memref<10x80xi32, #tpu.memory_space<vmem>> -> memref<1x80xi32, #tpu.memory_space<vmem>>
    %dma_wait3A_283 = tpu.memref_squeeze %dma_wait3A_282 : memref<1x80xi32, #tpu.memory_space<vmem>> -> memref<80xi32, #tpu.memory_space<vmem>>
    %dma_wait3A_284 = arith.constant 0 : i32
    %dma_wait3A_285 = arith.constant 0 : i32
    %dma_wait3A_286 = tpu.memref_slice %arg2[%dma_wait3A_284, %dma_wait3A_285] : memref<32768x768xf32, #tpu.memory_space<hbm>> -> memref<32768x768xf32, #tpu.memory_space<hbm>>
    tpu.wait_indirect_dma semaphore(%arg8 : memref<!tpu.dma_semaphore, #tpu.memory_space<semaphore_mem>>) src(%dma_wait3A_286 : memref<32768x768xf32, #tpu.memory_space<hbm>>) dst(%arg6 : memref<80x768xf32, #tpu.memory_space<vmem>>)
    %add3A_287 = arith.constant 480 : i32
    %add3A_288 = arith.addi %mul3A_32, %add3A_287 : i32
    %dma_start3A_289 = arith.constant 0 : i32
    %dma_start3A_290 = arith.constant 0 : i32
    %dma_start3A_291 = tpu.memref_slice %arg4[%select_n3A, %dma_start3A_289, %dma_start3A_290] : memref<4x5735x768xf32, #tpu.memory_space<hbm>> -> memref<1x5735x768xf32, #tpu.memory_space<hbm>>
    %dma_start3A_292 = tpu.memref_squeeze %dma_start3A_291 : memref<1x5735x768xf32, #tpu.memory_space<hbm>> -> memref<5735x768xf32, #tpu.memory_space<hbm>>
    %dma_start3A_293 = arith.constant 0 : i32
    %dma_start3A_294 = tpu.memref_slice %dma_start3A_292[%add3A_288, %dma_start3A_293] : memref<5735x768xf32, #tpu.memory_space<hbm>> -> memref<80x768xf32, #tpu.memory_space<hbm>>
    %dma_start3A_295 = arith.constant 0 : i32
    %dma_start3A_296 = arith.constant 0 : i32
    %dma_start3A_297 = tpu.memref_slice %arg4[%select_n3A, %dma_start3A_295, %dma_start3A_296] : memref<4x5735x768xf32, #tpu.memory_space<hbm>> -> memref<1x5735x768xf32, #tpu.memory_space<hbm>>
    %dma_start3A_298 = tpu.memref_squeeze %dma_start3A_297 : memref<1x5735x768xf32, #tpu.memory_space<hbm>> -> memref<5735x768xf32, #tpu.memory_space<hbm>>
    %dma_start3A_299 = arith.constant 0 : i32
    %dma_start3A_300 = tpu.memref_slice %dma_start3A_298[%add3A_288, %dma_start3A_299] : memref<5735x768xf32, #tpu.memory_space<hbm>> -> memref<80x768xf32, #tpu.memory_space<hbm>>
    tpu.enqueue_dma source(%arg6 : memref<80x768xf32, #tpu.memory_space<vmem>>) target(%dma_start3A_300 : memref<80x768xf32, #tpu.memory_space<hbm>>) target_semaphore(%arg10 : memref<!tpu.dma_semaphore, #tpu.memory_space<semaphore_mem>>)
    %add3A_301 = arith.constant 400 : i32
    %add3A_302 = arith.addi %mul3A_32, %add3A_301 : i32
    %dma_wait3A_303 = arith.constant 0 : i32
    %dma_wait3A_304 = arith.constant 0 : i32
    %dma_wait3A_305 = tpu.memref_slice %arg4[%select_n3A, %dma_wait3A_303, %dma_wait3A_304] : memref<4x5735x768xf32, #tpu.memory_space<hbm>> -> memref<1x5735x768xf32, #tpu.memory_space<hbm>>
    %dma_wait3A_306 = tpu.memref_squeeze %dma_wait3A_305 : memref<1x5735x768xf32, #tpu.memory_space<hbm>> -> memref<5735x768xf32, #tpu.memory_space<hbm>>
    %dma_wait3A_307 = arith.constant 0 : i32
    %dma_wait3A_308 = tpu.memref_slice %dma_wait3A_306[%add3A_302, %dma_wait3A_307] : memref<5735x768xf32, #tpu.memory_space<hbm>> -> memref<80x768xf32, #tpu.memory_space<hbm>>
    %dma_wait3A_309 = arith.constant 0 : i32
    %dma_wait3A_310 = arith.constant 0 : i32
    %dma_wait3A_311 = tpu.memref_slice %arg4[%select_n3A, %dma_wait3A_309, %dma_wait3A_310] : memref<4x5735x768xf32, #tpu.memory_space<hbm>> -> memref<1x5735x768xf32, #tpu.memory_space<hbm>>
    %dma_wait3A_312 = tpu.memref_squeeze %dma_wait3A_311 : memref<1x5735x768xf32, #tpu.memory_space<hbm>> -> memref<5735x768xf32, #tpu.memory_space<hbm>>
    %dma_wait3A_313 = arith.constant 0 : i32
    %dma_wait3A_314 = tpu.memref_slice %dma_wait3A_312[%add3A_302, %dma_wait3A_313] : memref<5735x768xf32, #tpu.memory_space<hbm>> -> memref<80x768xf32, #tpu.memory_space<hbm>>
    tpu.wait_dma2 semaphore(%arg11 : memref<!tpu.dma_semaphore, #tpu.memory_space<semaphore_mem>>) src(%arg7 : memref<80x768xf32, #tpu.memory_space<vmem>>) dst(%dma_wait3A_314 : memref<80x768xf32, #tpu.memory_space<hbm>>)
    %dma_start3A_315 = arith.constant 7 : i32
    %dma_start3A_316 = arith.constant 0 : i32
    %dma_start3A_317 = tpu.memref_slice %arg5[%dma_start3A_315, %dma_start3A_316] : memref<10x80xi32, #tpu.memory_space<vmem>> -> memref<1x80xi32, #tpu.memory_space<vmem>>
    %dma_start3A_318 = tpu.memref_squeeze %dma_start3A_317 : memref<1x80xi32, #tpu.memory_space<vmem>> -> memref<80xi32, #tpu.memory_space<vmem>>
    %dma_start3A_319 = arith.constant 0 : i32
    %dma_start3A_320 = arith.constant 0 : i32
    %dma_start3A_321 = tpu.memref_slice %arg2[%dma_start3A_319, %dma_start3A_320] : memref<32768x768xf32, #tpu.memory_space<hbm>> -> memref<32768x768xf32, #tpu.memory_space<hbm>>
    tpu.enqueue_indirect_dma source(%dma_start3A_321 : memref<32768x768xf32, #tpu.memory_space<hbm>>) target(%arg7 : memref<80x768xf32, #tpu.memory_space<vmem>>) offsets(%dma_start3A_318 : memref<80xi32, #tpu.memory_space<vmem>>) semaphore(%arg9 : memref<!tpu.dma_semaphore, #tpu.memory_space<semaphore_mem>>)
    %dma_wait3A_322 = arith.constant 7 : i32
    %dma_wait3A_323 = arith.constant 0 : i32
    %dma_wait3A_324 = tpu.memref_slice %arg5[%dma_wait3A_322, %dma_wait3A_323] : memref<10x80xi32, #tpu.memory_space<vmem>> -> memref<1x80xi32, #tpu.memory_space<vmem>>
    %dma_wait3A_325 = tpu.memref_squeeze %dma_wait3A_324 : memref<1x80xi32, #tpu.memory_space<vmem>> -> memref<80xi32, #tpu.memory_space<vmem>>
    %dma_wait3A_326 = arith.constant 0 : i32
    %dma_wait3A_327 = arith.constant 0 : i32
    %dma_wait3A_328 = tpu.memref_slice %arg2[%dma_wait3A_326, %dma_wait3A_327] : memref<32768x768xf32, #tpu.memory_space<hbm>> -> memref<32768x768xf32, #tpu.memory_space<hbm>>
    tpu.wait_indirect_dma semaphore(%arg9 : memref<!tpu.dma_semaphore, #tpu.memory_space<semaphore_mem>>) src(%dma_wait3A_328 : memref<32768x768xf32, #tpu.memory_space<hbm>>) dst(%arg7 : memref<80x768xf32, #tpu.memory_space<vmem>>)
    %add3A_329 = arith.constant 560 : i32
    %add3A_330 = arith.addi %mul3A_32, %add3A_329 : i32
    %dma_start3A_331 = arith.constant 0 : i32
    %dma_start3A_332 = arith.constant 0 : i32
    %dma_start3A_333 = tpu.memref_slice %arg4[%select_n3A, %dma_start3A_331, %dma_start3A_332] : memref<4x5735x768xf32, #tpu.memory_space<hbm>> -> memref<1x5735x768xf32, #tpu.memory_space<hbm>>
    %dma_start3A_334 = tpu.memref_squeeze %dma_start3A_333 : memref<1x5735x768xf32, #tpu.memory_space<hbm>> -> memref<5735x768xf32, #tpu.memory_space<hbm>>
    %dma_start3A_335 = arith.constant 0 : i32
    %dma_start3A_336 = tpu.memref_slice %dma_start3A_334[%add3A_330, %dma_start3A_335] : memref<5735x768xf32, #tpu.memory_space<hbm>> -> memref<80x768xf32, #tpu.memory_space<hbm>>
    %dma_start3A_337 = arith.constant 0 : i32
    %dma_start3A_338 = arith.constant 0 : i32
    %dma_start3A_339 = tpu.memref_slice %arg4[%select_n3A, %dma_start3A_337, %dma_start3A_338] : memref<4x5735x768xf32, #tpu.memory_space<hbm>> -> memref<1x5735x768xf32, #tpu.memory_space<hbm>>
    %dma_start3A_340 = tpu.memref_squeeze %dma_start3A_339 : memref<1x5735x768xf32, #tpu.memory_space<hbm>> -> memref<5735x768xf32, #tpu.memory_space<hbm>>
    %dma_start3A_341 = arith.constant 0 : i32
    %dma_start3A_342 = tpu.memref_slice %dma_start3A_340[%add3A_330, %dma_start3A_341] : memref<5735x768xf32, #tpu.memory_space<hbm>> -> memref<80x768xf32, #tpu.memory_space<hbm>>
    tpu.enqueue_dma source(%arg7 : memref<80x768xf32, #tpu.memory_space<vmem>>) target(%dma_start3A_342 : memref<80x768xf32, #tpu.memory_space<hbm>>) target_semaphore(%arg11 : memref<!tpu.dma_semaphore, #tpu.memory_space<semaphore_mem>>)
    %add3A_343 = arith.constant 480 : i32
    %add3A_344 = arith.addi %mul3A_32, %add3A_343 : i32
    %dma_wait3A_345 = arith.constant 0 : i32
    %dma_wait3A_346 = arith.constant 0 : i32
    %dma_wait3A_347 = tpu.memref_slice %arg4[%select_n3A, %dma_wait3A_345, %dma_wait3A_346] : memref<4x5735x768xf32, #tpu.memory_space<hbm>> -> memref<1x5735x768xf32, #tpu.memory_space<hbm>>
    %dma_wait3A_348 = tpu.memref_squeeze %dma_wait3A_347 : memref<1x5735x768xf32, #tpu.memory_space<hbm>> -> memref<5735x768xf32, #tpu.memory_space<hbm>>
    %dma_wait3A_349 = arith.constant 0 : i32
    %dma_wait3A_350 = tpu.memref_slice %dma_wait3A_348[%add3A_344, %dma_wait3A_349] : memref<5735x768xf32, #tpu.memory_space<hbm>> -> memref<80x768xf32, #tpu.memory_space<hbm>>
    %dma_wait3A_351 = arith.constant 0 : i32
    %dma_wait3A_352 = arith.constant 0 : i32
    %dma_wait3A_353 = tpu.memref_slice %arg4[%select_n3A, %dma_wait3A_351, %dma_wait3A_352] : memref<4x5735x768xf32, #tpu.memory_space<hbm>> -> memref<1x5735x768xf32, #tpu.memory_space<hbm>>
    %dma_wait3A_354 = tpu.memref_squeeze %dma_wait3A_353 : memref<1x5735x768xf32, #tpu.memory_space<hbm>> -> memref<5735x768xf32, #tpu.memory_space<hbm>>
    %dma_wait3A_355 = arith.constant 0 : i32
    %dma_wait3A_356 = tpu.memref_slice %dma_wait3A_354[%add3A_344, %dma_wait3A_355] : memref<5735x768xf32, #tpu.memory_space<hbm>> -> memref<80x768xf32, #tpu.memory_space<hbm>>
    tpu.wait_dma2 semaphore(%arg10 : memref<!tpu.dma_semaphore, #tpu.memory_space<semaphore_mem>>) src(%arg6 : memref<80x768xf32, #tpu.memory_space<vmem>>) dst(%dma_wait3A_356 : memref<80x768xf32, #tpu.memory_space<hbm>>)
    %dma_start3A_357 = arith.constant 8 : i32
    %dma_start3A_358 = arith.constant 0 : i32
    %dma_start3A_359 = tpu.memref_slice %arg5[%dma_start3A_357, %dma_start3A_358] : memref<10x80xi32, #tpu.memory_space<vmem>> -> memref<1x80xi32, #tpu.memory_space<vmem>>
    %dma_start3A_360 = tpu.memref_squeeze %dma_start3A_359 : memref<1x80xi32, #tpu.memory_space<vmem>> -> memref<80xi32, #tpu.memory_space<vmem>>
    %dma_start3A_361 = arith.constant 0 : i32
    %dma_start3A_362 = arith.constant 0 : i32
    %dma_start3A_363 = tpu.memref_slice %arg2[%dma_start3A_361, %dma_start3A_362] : memref<32768x768xf32, #tpu.memory_space<hbm>> -> memref<32768x768xf32, #tpu.memory_space<hbm>>
    tpu.enqueue_indirect_dma source(%dma_start3A_363 : memref<32768x768xf32, #tpu.memory_space<hbm>>) target(%arg6 : memref<80x768xf32, #tpu.memory_space<vmem>>) offsets(%dma_start3A_360 : memref<80xi32, #tpu.memory_space<vmem>>) semaphore(%arg8 : memref<!tpu.dma_semaphore, #tpu.memory_space<semaphore_mem>>)
    %dma_wait3A_364 = arith.constant 8 : i32
    %dma_wait3A_365 = arith.constant 0 : i32
    %dma_wait3A_366 = tpu.memref_slice %arg5[%dma_wait3A_364, %dma_wait3A_365] : memref<10x80xi32, #tpu.memory_space<vmem>> -> memref<1x80xi32, #tpu.memory_space<vmem>>
    %dma_wait3A_367 = tpu.memref_squeeze %dma_wait3A_366 : memref<1x80xi32, #tpu.memory_space<vmem>> -> memref<80xi32, #tpu.memory_space<vmem>>
    %dma_wait3A_368 = arith.constant 0 : i32
    %dma_wait3A_369 = arith.constant 0 : i32
    %dma_wait3A_370 = tpu.memref_slice %arg2[%dma_wait3A_368, %dma_wait3A_369] : memref<32768x768xf32, #tpu.memory_space<hbm>> -> memref<32768x768xf32, #tpu.memory_space<hbm>>
    tpu.wait_indirect_dma semaphore(%arg8 : memref<!tpu.dma_semaphore, #tpu.memory_space<semaphore_mem>>) src(%dma_wait3A_370 : memref<32768x768xf32, #tpu.memory_space<hbm>>) dst(%arg6 : memref<80x768xf32, #tpu.memory_space<vmem>>)
    %convert_element_type3A = arith.extui %ne3A_36 : i1 to i32
    %cond3A = arith.constant 0 : i32
    %cond3A_371 = arith.cmpi ne, %convert_element_type3A, %cond3A : i32
    scf.if %cond3A_371 {
      %add3A_395 = arith.constant 640 : i32
      %add3A_396 = arith.addi %mul3A_32, %add3A_395 : i32
      %dma_start3A_397 = arith.constant 0 : i32
      %dma_start3A_398 = arith.constant 0 : i32
      %dma_start3A_399 = tpu.memref_slice %arg4[%select_n3A, %dma_start3A_397, %dma_start3A_398] : memref<4x5735x768xf32, #tpu.memory_space<hbm>> -> memref<1x5735x768xf32, #tpu.memory_space<hbm>>
      %dma_start3A_400 = tpu.memref_squeeze %dma_start3A_399 : memref<1x5735x768xf32, #tpu.memory_space<hbm>> -> memref<5735x768xf32, #tpu.memory_space<hbm>>
      %dma_start3A_401 = arith.constant 0 : i32
      %dma_start3A_402 = tpu.memref_slice %dma_start3A_400[%add3A_396, %dma_start3A_401] : memref<5735x768xf32, #tpu.memory_space<hbm>> -> memref<80x768xf32, #tpu.memory_space<hbm>>
      %dma_start3A_403 = arith.constant 0 : i32
      %dma_start3A_404 = arith.constant 0 : i32
      %dma_start3A_405 = tpu.memref_slice %arg4[%select_n3A, %dma_start3A_403, %dma_start3A_404] : memref<4x5735x768xf32, #tpu.memory_space<hbm>> -> memref<1x5735x768xf32, #tpu.memory_space<hbm>>
      %dma_start3A_406 = tpu.memref_squeeze %dma_start3A_405 : memref<1x5735x768xf32, #tpu.memory_space<hbm>> -> memref<5735x768xf32, #tpu.memory_space<hbm>>
      %dma_start3A_407 = arith.constant 0 : i32
      %dma_start3A_408 = tpu.memref_slice %dma_start3A_406[%add3A_396, %dma_start3A_407] : memref<5735x768xf32, #tpu.memory_space<hbm>> -> memref<80x768xf32, #tpu.memory_space<hbm>>
      tpu.enqueue_dma source(%arg6 : memref<80x768xf32, #tpu.memory_space<vmem>>) target(%dma_start3A_408 : memref<80x768xf32, #tpu.memory_space<hbm>>) target_semaphore(%arg10 : memref<!tpu.dma_semaphore, #tpu.memory_space<semaphore_mem>>)
    } else {
    }
    %convert_element_type3A_372 = arith.extui %eq3A_34 : i1 to i32
    %cond3A_373 = arith.constant 0 : i32
    %cond3A_374 = arith.cmpi ne, %convert_element_type3A_372, %cond3A_373 : i32
    scf.if %cond3A_374 {
      %dma_start3A_395 = arith.constant 9 : i32
      %dma_start3A_396 = arith.constant 0 : i32
      %dma_start3A_397 = tpu.memref_slice %arg5[%dma_start3A_395, %dma_start3A_396] : memref<10x80xi32, #tpu.memory_space<vmem>> -> memref<1x80xi32, #tpu.memory_space<vmem>>
      %dma_start3A_398 = tpu.memref_squeeze %dma_start3A_397 : memref<1x80xi32, #tpu.memory_space<vmem>> -> memref<80xi32, #tpu.memory_space<vmem>>
      %dma_start3A_399 = arith.constant 0 : i32
      %dma_start3A_400 = arith.constant 0 : i32
      %dma_start3A_401 = tpu.memref_slice %arg4[%select_n3A, %dma_start3A_399, %dma_start3A_400] : memref<4x5735x768xf32, #tpu.memory_space<hbm>> -> memref<1x5735x768xf32, #tpu.memory_space<hbm>>
      %dma_start3A_402 = tpu.memref_squeeze %dma_start3A_401 : memref<1x5735x768xf32, #tpu.memory_space<hbm>> -> memref<5735x768xf32, #tpu.memory_space<hbm>>
      %dma_start3A_403 = arith.constant 0 : i32
      %dma_start3A_404 = arith.constant 0 : i32
      %dma_start3A_405 = tpu.memref_slice %dma_start3A_402[%dma_start3A_403, %dma_start3A_404] : memref<5735x768xf32, #tpu.memory_space<hbm>> -> memref<5735x768xf32, #tpu.memory_space<hbm>>
      tpu.enqueue_indirect_dma source(%arg6 : memref<80x768xf32, #tpu.memory_space<vmem>>) target(%dma_start3A_405 : memref<5735x768xf32, #tpu.memory_space<hbm>>) offsets(%dma_start3A_398 : memref<80xi32, #tpu.memory_space<vmem>>) semaphore(%arg10 : memref<!tpu.dma_semaphore, #tpu.memory_space<semaphore_mem>>)
    } else {
    }
    %add3A_375 = arith.constant 560 : i32
    %add3A_376 = arith.addi %mul3A_32, %add3A_375 : i32
    %dma_wait3A_377 = arith.constant 0 : i32
    %dma_wait3A_378 = arith.constant 0 : i32
    %dma_wait3A_379 = tpu.memref_slice %arg4[%select_n3A, %dma_wait3A_377, %dma_wait3A_378] : memref<4x5735x768xf32, #tpu.memory_space<hbm>> -> memref<1x5735x768xf32, #tpu.memory_space<hbm>>
    %dma_wait3A_380 = tpu.memref_squeeze %dma_wait3A_379 : memref<1x5735x768xf32, #tpu.memory_space<hbm>> -> memref<5735x768xf32, #tpu.memory_space<hbm>>
    %dma_wait3A_381 = arith.constant 0 : i32
    %dma_wait3A_382 = tpu.memref_slice %dma_wait3A_380[%add3A_376, %dma_wait3A_381] : memref<5735x768xf32, #tpu.memory_space<hbm>> -> memref<80x768xf32, #tpu.memory_space<hbm>>
    %dma_wait3A_383 = arith.constant 0 : i32
    %dma_wait3A_384 = arith.constant 0 : i32
    %dma_wait3A_385 = tpu.memref_slice %arg4[%select_n3A, %dma_wait3A_383, %dma_wait3A_384] : memref<4x5735x768xf32, #tpu.memory_space<hbm>> -> memref<1x5735x768xf32, #tpu.memory_space<hbm>>
    %dma_wait3A_386 = tpu.memref_squeeze %dma_wait3A_385 : memref<1x5735x768xf32, #tpu.memory_space<hbm>> -> memref<5735x768xf32, #tpu.memory_space<hbm>>
    %dma_wait3A_387 = arith.constant 0 : i32
    %dma_wait3A_388 = tpu.memref_slice %dma_wait3A_386[%add3A_376, %dma_wait3A_387] : memref<5735x768xf32, #tpu.memory_space<hbm>> -> memref<80x768xf32, #tpu.memory_space<hbm>>
    tpu.wait_dma2 semaphore(%arg11 : memref<!tpu.dma_semaphore, #tpu.memory_space<semaphore_mem>>) src(%arg7 : memref<80x768xf32, #tpu.memory_space<vmem>>) dst(%dma_wait3A_388 : memref<80x768xf32, #tpu.memory_space<hbm>>)
    %convert_element_type3A_389 = arith.extui %ne3A_36 : i1 to i32
    %cond3A_390 = arith.constant 0 : i32
    %cond3A_391 = arith.cmpi ne, %convert_element_type3A_389, %cond3A_390 : i32
    scf.if %cond3A_391 {
      %add3A_395 = arith.constant 640 : i32
      %add3A_396 = arith.addi %mul3A_32, %add3A_395 : i32
      %dma_wait3A_397 = arith.constant 0 : i32
      %dma_wait3A_398 = arith.constant 0 : i32
      %dma_wait3A_399 = tpu.memref_slice %arg4[%select_n3A, %dma_wait3A_397, %dma_wait3A_398] : memref<4x5735x768xf32, #tpu.memory_space<hbm>> -> memref<1x5735x768xf32, #tpu.memory_space<hbm>>
      %dma_wait3A_400 = tpu.memref_squeeze %dma_wait3A_399 : memref<1x5735x768xf32, #tpu.memory_space<hbm>> -> memref<5735x768xf32, #tpu.memory_space<hbm>>
      %dma_wait3A_401 = arith.constant 0 : i32
      %dma_wait3A_402 = tpu.memref_slice %dma_wait3A_400[%add3A_396, %dma_wait3A_401] : memref<5735x768xf32, #tpu.memory_space<hbm>> -> memref<80x768xf32, #tpu.memory_space<hbm>>
      %dma_wait3A_403 = arith.constant 0 : i32
      %dma_wait3A_404 = arith.constant 0 : i32
      %dma_wait3A_405 = tpu.memref_slice %arg4[%select_n3A, %dma_wait3A_403, %dma_wait3A_404] : memref<4x5735x768xf32, #tpu.memory_space<hbm>> -> memref<1x5735x768xf32, #tpu.memory_space<hbm>>
      %dma_wait3A_406 = tpu.memref_squeeze %dma_wait3A_405 : memref<1x5735x768xf32, #tpu.memory_space<hbm>> -> memref<5735x768xf32, #tpu.memory_space<hbm>>
      %dma_wait3A_407 = arith.constant 0 : i32
      %dma_wait3A_408 = tpu.memref_slice %dma_wait3A_406[%add3A_396, %dma_wait3A_407] : memref<5735x768xf32, #tpu.memory_space<hbm>> -> memref<80x768xf32, #tpu.memory_space<hbm>>
      tpu.wait_dma2 semaphore(%arg10 : memref<!tpu.dma_semaphore, #tpu.memory_space<semaphore_mem>>) src(%arg6 : memref<80x768xf32, #tpu.memory_space<vmem>>) dst(%dma_wait3A_408 : memref<80x768xf32, #tpu.memory_space<hbm>>)
    } else {
    }
    %convert_element_type3A_392 = arith.extui %eq3A_34 : i1 to i32
    %cond3A_393 = arith.constant 0 : i32
    %cond3A_394 = arith.cmpi ne, %convert_element_type3A_392, %cond3A_393 : i32
    scf.if %cond3A_394 {
      %dma_wait3A_395 = arith.constant 9 : i32
      %dma_wait3A_396 = arith.constant 0 : i32
      %dma_wait3A_397 = tpu.memref_slice %arg5[%dma_wait3A_395, %dma_wait3A_396] : memref<10x80xi32, #tpu.memory_space<vmem>> -> memref<1x80xi32, #tpu.memory_space<vmem>>
      %dma_wait3A_398 = tpu.memref_squeeze %dma_wait3A_397 : memref<1x80xi32, #tpu.memory_space<vmem>> -> memref<80xi32, #tpu.memory_space<vmem>>
      %dma_wait3A_399 = arith.constant 0 : i32
      %dma_wait3A_400 = arith.constant 0 : i32
      %dma_wait3A_401 = tpu.memref_slice %arg4[%select_n3A, %dma_wait3A_399, %dma_wait3A_400] : memref<4x5735x768xf32, #tpu.memory_space<hbm>> -> memref<1x5735x768xf32, #tpu.memory_space<hbm>>
      %dma_wait3A_402 = tpu.memref_squeeze %dma_wait3A_401 : memref<1x5735x768xf32, #tpu.memory_space<hbm>> -> memref<5735x768xf32, #tpu.memory_space<hbm>>
      %dma_wait3A_403 = arith.constant 0 : i32
      %dma_wait3A_404 = arith.constant 0 : i32
      %dma_wait3A_405 = tpu.memref_slice %dma_wait3A_402[%dma_wait3A_403, %dma_wait3A_404] : memref<5735x768xf32, #tpu.memory_space<hbm>> -> memref<5735x768xf32, #tpu.memory_space<hbm>>
      tpu.wait_indirect_dma semaphore(%arg10 : memref<!tpu.dma_semaphore, #tpu.memory_space<semaphore_mem>>) src(%arg6 : memref<80x768xf32, #tpu.memory_space<vmem>>) dst(%dma_wait3A_405 : memref<5735x768xf32, #tpu.memory_space<hbm>>)
    } else {
    }
    return
  }
}

</mosaic_0001>

<sc_bundles>
// kernel: _gather_rows.3.cloned.1.call-start
scs
__scs_entry_jumppad:
0x0: {  	(pc) =	sbr.rel $0x88, $3  }
0x1: {  	(tag) =	ssettag $0x0;
	lr =	simm.s32 $0x1  }
0x2: {  	[smem:$0x3F9F] =	sst lr;
	_ =	strace $0xD0000000  }
0x3: {  	_ = 	snop  }
0x4: {  	_ = 	snop  }
0x5: {  	_ = 	snop  }
0x6: {  	_ = 	snop  }
0x7: {  	_ = 	snop  }
__scs_overlays_trampoline_lowered:
0x8: {  	[smem:$0x3FAE] =	sst s0  }
0x9: {  	[smem:$0x3FAF] =	sst s1  }
0xa: {  	[smem:$0x3FB0] =	sst s2  }
0xb: {  	[smem:$0x3FB1] =	sst s3  }
0xc: {  	[smem:$0x3FB2] =	sst s4  }
0xd: {  	[smem:$0x3FB3] =	sst s5  }
0xe: {  	[smem:$0x3FB4] =	sst s6  }
0xf: {  	[smem:$0x3FB5] =	sst s7  }
0x10: {  	[smem:$0x3FB6] =	sst s8  }
0x11: {  	[smem:$0x3FB7] =	sst s9;
	s0 =	simm.s32 @!p0 $0x0  }
0x12: {  	s1 =	sld [smem:$0x3F9D];
	s0 =	simm.s32 @p0 $0x1  }
0x13: {  	[smem:$0x3FB8] =	sst s0;
	s0 =	simm.s32 @!p1 $0x0  }
0x14: {  	s2 =	sld [smem:$0x3F9C];
	s0 =	simm.s32 @p1 $0x1  }
0x15: {  	[smem:$0x3FB9] =	sst s0;
	s0 =	simm.s32 @!p2 $0x0  }
0x16: {  	s3 =	sld [smem:$0x3FDB];
	s0 =	simm.s32 @p2 $0x1  }
0x17: {  	s4 =	simm.s32 $0x1BF5;
	[smem:$0x3FBB] =	sst s0  }
0x18: {  	s0 =	sld [smem:$0x3F9E];
	_ =	swait.ge [sflag:s4], $0x0  }
0x19: {  	s7 =	sld [smem:$0x3F9F]  }
0x1a: {  	s8 =	sadd.s32 $0xFFFFE003, lr  }
0x1b: {  	s9 =	sadd.s32 $0xFFFFFEF7, lr;
	s5 =	simm.s32 $0xFFFFFFFF;
	p2 =	slt.u32 s8, $0xFFFFF086  }
0x1c: {  	p1 =	slt.u32 s9, $0xF7A;
	s5 =	simm.s32 @!p2 $0x0  }
0x1d: {  	s5 =	simm.s32 @p1 $0x1;
	p0 =	seq.s32 s7, s2  }
0x1e: {  	s7 =	smul.u32 @!p0 $0xF7A, s2;
	p2 =	seq.s32 @!p0 s5, $0x0  }
0x1f: {  	s9 =	smul.u32 $0xF7A, s1;
	s8 =	simm.s32 @!p0 $0x1BF5;
	p2 =	por !p2, p0  }
0x20: {  	[sflag:s8] =	ssyncset.s32 @!p0 $0xFFFFF086;
	s6 =	sadd.s32 @!p0 s3, s7;
	s7 =	simm.s32 @!p0 $0x108  }
0x21: {  	s3 =	sadd.s32 s3, s9;
	s6 =	sadd.s32 @!p0 $0x88, s6;
	s7 =	simm.s32 @p2 $0x1082  }
0x22: {  	[simem:s7], [sflag:s8] =	dma.local @!p0 [hbm:s6], $0xF7A  }
0x23: {  	s9 =	sor.u32 $0xD0000000, s2;
	s6 =	simm.s32 $0x108;
	_ =	swait.ge @!p0 [sflag:s8], $0x0  }
0x24: {  	s3 =	sadd.s32 $0x88, s3;
	s6 =	simm.s32 @!p1 $0x1082;
	[sflag:s4] =	ssyncset.s32 $0xFFFFF086  }
0x25: {  	[simem:s6], [sflag:s4] =	dma.local [hbm:s3], $0xF7A  }
0x26: {  	[smem:$0x3F9F] =	sst s1;
	(tag) =	ssettag s2;
	_ =	strace s9  }
0x27: {  	s1 =	sld [smem:$0x3FAF]  }
0x28: {  	s2 =	sld [smem:$0x3FB0]  }
0x29: {  	s4 =	sld [smem:$0x3FB2]  }
0x2a: {  	p0 =	seq.s32 s5, $0x0;
	s5 =	sld [smem:$0x3FB3]  }
0x2b: {  	s6 =	sld [smem:$0x3FB4]  }
0x2c: {  	s7 =	sld [smem:$0x3FB5]  }
0x2d: {  	s3 =	simm.s32 $0x108;
	s8 =	sld [smem:$0x3FB6]  }
0x2e: {  	s3 =	simm.s32 @!p0 $0x1082;
	s9 =	sld [smem:$0x3FB7]  }
0x2f: {  	lr =	sadd.s32 s0, s3;
	s0 =	sld [smem:$0x3FAE]  }
0x30: {  	s3 =	sld [smem:$0x3FB1]  }
0x31: {  	[smem:$0x3FBA] =	sst s10  }
0x32: {  	s10 =	sld [smem:$0x3FB8];
	_ =	sdelay $0x3  }
0x33: {  	p0 =	seq.s32 s10, $0x1;
	s10 =	sld [smem:$0x3FBA];
	_ =	sdelay $0x3  }
0x34: {  	[smem:$0x3FBA] =	sst s10  }
0x35: {  	s10 =	sld [smem:$0x3FB9];
	_ =	sdelay $0x3  }
0x36: {  	p1 =	seq.s32 s10, $0x1;
	s10 =	sld [smem:$0x3FBA];
	_ =	sdelay $0x3  }
0x37: {  	[smem:$0x3FBA] =	sst s10  }
0x38: {  	s10 =	sld [smem:$0x3FBB]  }
0x39: {  	_ = 	snop;
	(pc) =	sbr.ind lr, $3  }
0x3a: {  	_ = 	snop  }
0x3b: {  	_ = 	snop  }
0x3c: {  	p2 =	seq.s32 s10, $0x1;
	s10 =	sld [smem:$0x3FBA]  }
0x3d: {  	_ =	shalt  }
0x3e: {  	_ =	shalt  }
0x3f: {  	_ =	shalt  }
0x40: {  	_ =	shalt  }
0x41: {  	_ =	shalt  }
0x42: {  	_ =	shalt  }
0x43: {  	_ =	shalt  }
0x44: {  	_ =	shalt  }
0x45: {  	_ =	shalt  }
0x46: {  	_ =	shalt  }
0x47: {  	_ =	shalt  }
0x48: {  	_ =	shalt  }
0x49: {  	_ =	shalt  }
0x4a: {  	_ =	shalt  }
0x4b: {  	_ =	shalt  }
0x4c: {  	_ =	shalt  }
0x4d: {  	_ =	shalt  }
0x4e: {  	_ =	shalt  }
0x4f: {  	_ =	shalt  }
0x50: {  	_ =	shalt  }
0x51: {  	_ =	shalt  }
0x52: {  	_ =	shalt  }
0x53: {  	_ =	shalt  }
0x54: {  	_ =	shalt  }
0x55: {  	_ =	shalt  }
0x56: {  	_ =	shalt  }
0x57: {  	_ =	shalt  }
0x58: {  	_ =	shalt  }
0x59: {  	_ =	shalt  }
0x5a: {  	_ =	shalt  }
0x5b: {  	_ =	shalt  }
0x5c: {  	_ =	shalt  }
0x5d: {  	_ =	shalt  }
0x5e: {  	_ =	shalt  }
0x5f: {  	_ =	shalt  }
0x60: {  	_ =	shalt  }
0x61: {  	_ =	shalt  }
0x62: {  	_ =	shalt  }
0x63: {  	_ =	shalt  }
0x64: {  	_ =	shalt  }
0x65: {  	_ =	shalt  }
0x66: {  	_ =	shalt  }
0x67: {  	_ =	shalt  }
0x68: {  	_ =	shalt  }
0x69: {  	_ =	shalt  }
0x6a: {  	_ =	shalt  }
0x6b: {  	_ =	shalt  }
0x6c: {  	_ =	shalt  }
0x6d: {  	_ =	shalt  }
0x6e: {  	_ =	shalt  }
0x6f: {  	_ =	shalt  }
0x70: {  	_ =	shalt  }
0x71: {  	_ =	shalt  }
0x72: {  	_ =	shalt  }
0x73: {  	_ =	shalt  }
0x74: {  	_ =	shalt  }
0x75: {  	_ =	shalt  }
0x76: {  	_ =	shalt  }
0x77: {  	_ =	shalt  }
0x78: {  	_ =	shalt  }
0x79: {  	_ =	shalt  }
0x7a: {  	_ =	shalt  }
0x7b: {  	_ =	shalt  }
0x7c: {  	_ =	shalt  }
0x7d: {  	_ =	shalt  }
0x7e: {  	_ =	shalt  }
0x7f: {  	_ =	shalt  }
0x80: {  	_ =	shalt  }
0x81: {  	_ =	shalt  }
0x82: {  	_ =	shalt  }
0x83: {  	_ =	shalt  }
0x84: {  	_ =	shalt  }
0x85: {  	_ =	shalt  }
0x86: {  	_ =	shalt  }
0x87: {  	_ =	shalt  }
.Lfunc_end0:
.L_simem_size_0:
called_computation_lowered:
.L_overlay_start_0:
0x88: {  	s2 =	sld [smem:$0x3FD9]  }
0x89: {  	s3 =	sld [smem:$0x3FFE];
	_ =	sdelay $0x1  }
0x8a: {  	s1 =	srdreg.scid  }
0x8b: {  	s0 =	sand.u32 $0x1, s1  }
0x8c: {  	s17 =	sshll.u32 s0, $0xA;
	s2 =	sadd.s32 s3, s2  }
0x8d: {  	s2 =	sadd.s32 s2, s17  }
0x8e: {  	[smem:$0x3FC6] =	sst s2  }
0x8f: {  	_ = 	snop  }
0x90: {  	s2 =	sld [smem:$0x3FC9]  }
0x91: {  	s18 =	sld [smem:$0x3FD0];
	(tm) =	ssettm $0x1  }
0x92: {  	s4 =	sld [smem:$0x3FFB];
	_ =	sdelay $0x3  }
0x93: {  	_ =	strace s4  }
0x94: {  	s4 =	sld [smem:$0x3FFC];
	_ =	sdelay $0x3  }
0x95: {  	_ =	strace s4  }
0x96: {  	s4 =	sld [smem:$0x3FFD];
	_ =	sdelay $0x3  }
0x97: {  	_ =	strace s4  }
0x98: {  	_ =	strace $0x8FFFFFFF  }
0x99: {  	s19 =	sld [smem:$0x3FDB];
	_ =	sdelay $0x1  }
0x9a: {  	s5 =	simm.s32 $_scs_section_size  }
0x9b: {  	s6 =	simm.s32 $_size__tile_overlayer_lowered;
	s7 =	simm.s32 $_tile_overlayer_lowered  }
0x9c: {  	s22 =	simm.s32 $0x1BFF;
	s21 =	sshll.u32 s7, $0x1;
	s4 =	sadd.s32 s5, s19  }
0x9d: {  	s8 =	simm.s32 $0x0;
	s20 =	sshll.u32 s6, $0x1;
	s6 =	sadd.s32 s21, s4  }
0x9e: {  	[timem:s8], [sflag:s22] =	dma.local [hbm:s6], s20  }
0x9f: {  	_ =	swait.ge [sflag:s22], s20  }
0xa0: {  	s5 =	ssub.s32 $0x0, s20;
	[sflag:s22] =	ssyncset.done $0x0  }
0xa1: {  	[sflag:s22] =	ssyncadd.s32 s5;
	_ =	sdelay $0x1  }
0xa2: {  	s23 =	simm.s32 $0x1B8B  }
0xa3: {  	_ =	swait.ge [sflag:s23], $0x1  }
0xa4: {  	[sflag:s23] =	ssyncset.done $0x0  }
0xa5: {  	s25 =	simm.s32 $0x1B8E;
	s24 =	sld [smem:$0x3FFE];
	[sflag:s23] =	ssyncadd.s32 $0xFFFFFFFF  }
0xa6: {  	s26 =	simm.s32 $execute0_lowered;
	[smem:$0x3FD2] =	sst s25  }
0xa7: {  	s6 =	sshll.u32 s26, $0x1;
	_ =	strace $0x80000046;
	[dreg:$0x1] =	wrdreg $0xFFFFFFFF  }
0xa8: {  	s28 =	simm.s32 $_size_execute0_lowered;
	s4 =	sadd.s32 s4, s6;
	[dreg:$0x0] =	wrdreg $0x0  }
0xa9: {  	s6 =	sshll.u32 s28, $0x1;
	[dreg:$0x2] =	wrdreg s4  }
0xaa: {  	[dreg:$0x3] =	wrdreg s6  }
0xab: {  	[dreg:$0x4] =	wrdreg $0xC0  }
0xac: {  	_ =	task [dreg:s8], $0x5FFFF  }
0xad: {  	[dreg:$0x1] =	wrdreg $0xFFFFFFFF  }
0xae: {  	[dreg:$0x0] =	wrdreg $0x60  }
0xaf: {  	[dreg:$0x2] =	wrdreg s2  }
0xb0: {  	[dreg:$0x3] =	wrdreg s18  }
0xb1: {  	[dreg:$0x4] =	wrdreg s24  }
0xb2: {  	[dreg:$0x5] =	wrdreg $0x9  }
0xb3: {  	_ =	task.clear_ibuf [dreg:s8], $0x6FFFF;
	_ =	strace $0x90000046  }
0xb4: {  	s29 =	simm.s32 $0x9;
	_ =	strace $0x80000048  }
0xb5: {  	_ =	swait.ge [sflag:s29], $0x1  }
0xb6: {  	[sflag:s29] =	ssyncadd.s32 $0xFFFFFFFF  }
0xb7: {  	_ =	strace $0x90000048  }
0xb8: {  	_ =	sfence  }
0xb9: {  	s30 =	sld [smem:$0x0];
	_ =	sdelay $0x2  }
0xba: {  	s31 =	sshll.u32 s1, $0xD;
	s1 =	sshrl.u32 s1, $0x2  }
0xbb: {  	s3 =	sand.u32 $0x4000, s31;
	s1 =	sadd.s32 s1, s30  }
0xbc: {  	s0 =	sor.u32 s3, s0;
	s1 =	sshll.u32 s1, $0x11  }
0xbd: {  	s0 =	sor.u32 s1, s0  }
0xbe: {  	s0 =	sadd.s32 $0x8F2B, s0  }
0xbf: {  	[sflag:s0] =	ssyncadd.remote.s32 $0x1  }
0xc0: {  	_ =	sfence.sel $0xFFFF  }
0xc1: {  	[dreg:$0x0] =	wrdreg $0xFFFFFFFF;
	(pc) =	sbr.abs _section_cstart, $3  }
0xc2: {  	[dreg:$0x1] =	wrdreg $0xFFFFFFFF  }
0xc3: {  	_ =	task.clear_ibuf [dreg:s8], $0x2FFFF;
	_ =	strace $0x9FFFFFFF  }
0xc4: {  	(tm) =	ssettm $0x7FFFFFFF  }
0xc5: {  	_ =	shalt  }
tec
execute0_lowered:
.L_overlay_start_1:
0x0: {  	(tag) =	ssettag $0x1  }
0x1: {  	s1 =	rddreg [dreg:$0x0]  }
0x2: {  	s0 =	rddreg [dreg:$0x1];
	s5 =	stileid.u32  }
0x3: {  	s2 =	srdreg.scid;
	s4 =	rddreg [dreg:$0x2]  }
0x4: {  	s10 =	simm.s32 $0x800;
	s31 =	simm.s32 $0x9800;
	s29 =	simm.s32 $0x3  }
0x5: {  	s2 =	sand.u32 $0x1, s2;
	s3 =	sshll.u32 s5, $0x1;
	s5 =	sshrl.u32 s5, $0x2  }
0x6: {  	s6 =	sor.u32 s2, s3;
	s3 =	simm.s32 $0x0;
	s5 =	smul.u32 $0x86700, s5  }
0x7: {  	s2 =	ssub.s32 $0x2, s2;
	s9 =	sand.u32 $0x7, s6;
	[smem:$0x7FF] =	sst s3  }
0x8: {  	s16 =	sshrl.u32 s2, $0x1;
	s17 =	sshll.u32 s6, $0x8;
	s6 =	sadd.s32 $0x200, s1  }
0x9: {  	s7 =	smul.u32 $0x2D0, s9;
	_ =	strace $0x80000047;
	s4 =	sadd.s32 s5, s4  }
0xa: {  	s2 =	ssub.s32 s2, s16;
	s0 =	sadd.s32 s0, s17;
	s5 =	sadd.s32 $0x100, s1  }
0xb: {  	s21 =	smul.u32 $0x10E00, s9;
	p0 =	seq.s32 s9, $0x7;
	s9 =	simm.s32 $0x6800  }
0xc: {  	[dreg:$0x5] =	wrdreg s0;
	s20 =	sadd.s32 $0x400, s4;
	s18 =	sshrl.u32 s7, $0x3  }
0xd: {  	s4 =	sadd.s32 s21, s20;
	[dreg:$0xe] =	wrdreg s20;
	s19 =	smul.u32 $0x300, s18  }
0xe: {  	s2 =	smax.u32 s2, $0x1;
	s21 =	simm.s32 $0x4800;
	[dreg:$0x4] =	wrdreg s4  }
0xf: {  	s11 =	sadd.s32 $0x1E00, s19;
	s12 =	sadd.s32 $0x3C00, s19;
	s13 =	sadd.s32 $0x5A00, s19  }
0x10: {  	s14 =	sadd.s32 $0x7800, s19;
	s15 =	sadd.s32 $0x9600, s19;
	s16 =	sadd.s32 $0xB400, s19  }
0x11: {  	s17 =	sadd.s32 $0xD200, s19;
	s0 =	sadd.s32 $0xF000, s19;
	s22 =	sadd.s32 s11, s20  }
0x12: {  	s23 =	sadd.s32 s12, s20;
	s24 =	sadd.s32 s13, s20;
	[dreg:$0x6] =	wrdreg s22  }
0x13: {  	s25 =	sadd.s32 s14, s20;
	s26 =	sadd.s32 s15, s20;
	[dreg:$0x7] =	wrdreg s23  }
0x14: {  	s28 =	sadd.s32 s16, s20;
	s30 =	sadd.s32 s17, s20;
	[dreg:$0x8] =	wrdreg s24  }
0x15: {  	s0 =	sadd.s32 s0, s20;
	s20 =	simm.s32 $0x4000;
	[dreg:$0x9] =	wrdreg s25  }
.Ltmp0:
0x16: {  	s11 =	simm.s32 $0x7000;
	[dreg:$0xa] =	wrdreg s26;
	(pc) =	sbr.rel .LBB2_1-.Ltmp0, $4  }
0x17: {  	s12 =	simm.s32 $0x7800;
	s13 =	simm.s32 $0x8000;
	[dreg:$0xb] =	wrdreg s28  }
0x18: {  	v2 =	vlaneseq.u32;
	s14 =	simm.s32 $0x8800;
	s15 =	simm.s32 $0x9000;
	[dreg:$0xc] =	wrdreg s30  }
0x19: {  	vm0 =	vmmov $0xffff;
	v1 =	vshrl.u32 v2, $0x3;
	s16 =	simm.s32 $0x4;
	[dreg:$0xd] =	wrdreg s0;
	s22 =	simm.s32 $0x5000  }
0x1a: {  	v0 =	vand.u32 $0x7, v2;
	v2 =	vor.u32 $0x8, v2;
	v1 =	vmul.u32 $0x8, v1;
	s23 =	simm.s32 $0x5800;
	s24 =	simm.s32 $0x6000;
	s26 =	simm.s32 $0x1  }
.LBB2_3:
0x1b: {  	v3 =	vld [tilespmem:$0x480];
	_ =	sdelay $0x4  }
0x1c: {  	v4 =	vshrl.u32 v3, $0x3  }
0x1d: {  	v4 =	vmul.u32 $0x30, v4  }
0x1e: {  	v3 =	vand.u32 $0x7, v3  }
0x1f: {  	v3 =	vor.u32 v3, v4  }
0x20: {  	v4 =	vperm.xlane v3, v0;
	_ =	sdelay $0x1  }
0x21: {  	v4 =	vadd.s32 v1, v4;
	_ =	sdelay $0x3  }
0x22: {  	s7 =	rddreg [dreg:$0xe];
	v3 =	vperm.xlane v3, v2  }
0x23: {  	[hbm4b:s7+s3] =	stream.indirect_vreg.scatter [tilespmem:s10], [sflag:$0x3], $0x80, v4, vm0, $0xb8;
	[tilespmem:$0x1E800] =	vst v63  }
0x24: {  	s2 =	simm.s32 $0x1000;
	s31 =	sadd.s32 $0x100, s7;
	v3 =	vadd.s32 v1, v3  }
0x25: {  	[hbm4b:s31+s3] =	stream.indirect_vreg.scatter [tilespmem:s2], [sflag:$0x3], $0x80, v4, vm0, $0xb8;
	[tilespmem:$0x1E800] =	vst v63  }
0x26: {  	s10 =	simm.s32 $0x1800;
	s2 =	sadd.s32 $0x200, s7  }
0x27: {  	[hbm4b:s2+s3] =	stream.indirect_vreg.scatter [tilespmem:s10], [sflag:$0x3], $0x80, v4, vm0, $0xb8;
	[tilespmem:$0x1E800] =	vst v63  }
0x28: {  	s10 =	simm.s32 $0x2000  }
0x29: {  	[hbm4b:s7+s3] =	stream.indirect_vreg.scatter [tilespmem:s10], [sflag:$0x3], $0x80, v3, vm0, $0xb8;
	[tilespmem:$0x1E800] =	vst v63  }
0x2a: {  	s10 =	simm.s32 $0x2800  }
0x2b: {  	[hbm4b:s31+s3] =	stream.indirect_vreg.scatter [tilespmem:s10], [sflag:$0x3], $0x80, v3, vm0, $0xb8;
	[tilespmem:$0x1E800] =	vst v63  }
0x2c: {  	s10 =	simm.s32 $0x3000  }
0x2d: {  	[hbm4b:s2+s3] =	stream.indirect_vreg.scatter [tilespmem:s10], [sflag:$0x3], $0x80, v3, vm0, $0xb8;
	[tilespmem:$0x1E800] =	vst v63  }
0x2e: {  	v3 =	vld [tilespmem:$0x490];
	_ =	sdelay $0x4  }
0x2f: {  	v60 =	vshrl.u32 v3, $0x3  }
0x30: {  	v4 =	vmul.u32 $0x30, v60  }
0x31: {  	v3 =	vand.u32 $0x7, v3  }
0x32: {  	v3 =	vor.u32 v3, v4  }
0x33: {  	v4 =	vperm.xlane v3, v0;
	_ =	sdelay $0x1  }
0x34: {  	v4 =	vadd.s32 v1, v4;
	_ =	sdelay $0x3  }
0x35: {  	v3 =	vperm.xlane v3, v2  }
0x36: {  	[hbm4b:s7+s3] =	stream.indirect_vreg.scatter [tilespmem:s28], [sflag:$0x3], $0x80, v4, vm0, $0xb8;
	[tilespmem:$0x1E800] =	vst v63  }
0x37: {  	s0 =	simm.s32 $0x4000;
	v3 =	vadd.s32 v1, v3  }
0x38: {  	[hbm4b:s31+s3] =	stream.indirect_vreg.scatter [tilespmem:s0], [sflag:$0x3], $0x80, v4, vm0, $0xb8;
	[tilespmem:$0x1E800] =	vst v63  }
0x39: {  	s20 =	simm.s32 $0x4800  }
0x3a: {  	[hbm4b:s2+s3] =	stream.indirect_vreg.scatter [tilespmem:s20], [sflag:$0x3], $0x80, v4, vm0, $0xb8;
	[tilespmem:$0x1E800] =	vst v63  }
0x3b: {  	s21 =	simm.s32 $0x5000  }
0x3c: {  	[hbm4b:s7+s3] =	stream.indirect_vreg.scatter [tilespmem:s21], [sflag:$0x3], $0x80, v3, vm0, $0xb8;
	[tilespmem:$0x1E800] =	vst v63  }
0x3d: {  	s22 =	simm.s32 $0x5800  }
0x3e: {  	[hbm4b:s31+s3] =	stream.indirect_vreg.scatter [tilespmem:s22], [sflag:$0x3], $0x80, v3, vm0, $0xb8;
	[tilespmem:$0x1E800] =	vst v63  }
0x3f: {  	s23 =	simm.s32 $0x6000  }
0x40: {  	[hbm4b:s2+s3] =	stream.indirect_vreg.scatter [tilespmem:s23], [sflag:$0x3], $0x80, v3, vm0, $0xb8;
	[tilespmem:$0x1E800] =	vst v63  }
0x41: {  	v3 =	vld [tilespmem:$0x4A0];
	_ =	sdelay $0x4  }
0x42: {  	v61 =	vshrl.u32 v3, $0x3  }
0x43: {  	v4 =	vmul.u32 $0x30, v61  }
0x44: {  	v3 =	vand.u32 $0x7, v3  }
0x45: {  	v3 =	vor.u32 v3, v4  }
0x46: {  	v4 =	vperm.xlane v3, v0;
	_ =	sdelay $0x1  }
0x47: {  	v4 =	vadd.s32 v1, v4;
	_ =	sdelay $0x3  }
0x48: {  	s9 =	simm.s32 $0x6800;
	v3 =	vperm.xlane v3, v2  }
0x49: {  	[hbm4b:s7+s3] =	stream.indirect_vreg.scatter [tilespmem:s9], [sflag:$0x3], $0x80, v4, vm0, $0xb8;
	[tilespmem:$0x1E800] =	vst v63  }
0x4a: {  	s11 =	simm.s32 $0x7000;
	v3 =	vadd.s32 v1, v3  }
0x4b: {  	[hbm4b:s31+s3] =	stream.indirect_vreg.scatter [tilespmem:s11], [sflag:$0x3], $0x80, v4, vm0, $0xb8;
	[tilespmem:$0x1E800] =	vst v63  }
0x4c: {  	s12 =	simm.s32 $0x7800  }
0x4d: {  	[hbm4b:s2+s3] =	stream.indirect_vreg.scatter [tilespmem:s12], [sflag:$0x3], $0x80, v4, vm0, $0xb8;
	[tilespmem:$0x1E800] =	vst v63  }
0x4e: {  	s13 =	simm.s32 $0x8000  }
0x4f: {  	[hbm4b:s7+s3] =	stream.indirect_vreg.scatter [tilespmem:s13], [sflag:$0x3], $0x80, v3, vm0, $0xb8;
	[tilespmem:$0x1E800] =	vst v63  }
0x50: {  	s14 =	simm.s32 $0x8800  }
0x51: {  	[hbm4b:s31+s3] =	stream.indirect_vreg.scatter [tilespmem:s14], [sflag:$0x3], $0x80, v3, vm0, $0xb8;
	[tilespmem:$0x1E800] =	vst v63  }
0x52: {  	s15 =	simm.s32 $0x9000  }
0x53: {  	[hbm4b:s2+s3] =	stream.indirect_vreg.scatter [tilespmem:s15], [sflag:$0x3], $0x80, v3, vm0, $0xb8;
	[tilespmem:$0x1E800] =	vst v63  }
0x54: {  	v3 =	vld [tilespmem:$0x4B0];
	_ =	sdelay $0x4  }
0x55: {  	v62 =	vshrl.u32 v3, $0x3  }
0x56: {  	v4 =	vmul.u32 $0x30, v62  }
0x57: {  	v3 =	vand.u32 $0x7, v3  }
0x58: {  	v3 =	vor.u32 v3, v4  }
0x59: {  	v4 =	vperm.xlane v3, v0;
	_ =	sdelay $0x1  }
0x5a: {  	v4 =	vadd.s32 v1, v4;
	_ =	sdelay $0x3  }
0x5b: {  	s24 =	simm.s32 $0x9800;
	v3 =	vperm.xlane v3, v2  }
0x5c: {  	[hbm4b:s7+s3] =	stream.indirect_vreg.scatter [tilespmem:s24], [sflag:$0x3], $0x80, v4, vm0, $0xb8;
	[tilespmem:$0x1E800] =	vst v63  }
0x5d: {  	s4 =	simm.s32 $0xA000;
	v3 =	vadd.s32 v1, v3  }
0x5e: {  	[hbm4b:s31+s3] =	stream.indirect_vreg.scatter [tilespmem:s4], [sflag:$0x3], $0x80, v4, vm0, $0xb8;
	[tilespmem:$0x1E800] =	vst v63  }
0x5f: {  	s17 =	simm.s32 $0xA800  }
0x60: {  	[hbm4b:s2+s3] =	stream.indirect_vreg.scatter [tilespmem:s17], [sflag:$0x3], $0x80, v4, vm0, $0xb8;
	[tilespmem:$0x1E800] =	vst v63  }
0x61: {  	s18 =	simm.s32 $0xB000  }
0x62: {  	[hbm4b:s7+s3] =	stream.indirect_vreg.scatter [tilespmem:s18], [sflag:$0x3], $0x80, v3, vm0, $0xb8;
	[tilespmem:$0x1E800] =	vst v63  }
0x63: {  	s25 =	simm.s32 $0xB800  }
0x64: {  	[hbm4b:s31+s3] =	stream.indirect_vreg.scatter [tilespmem:s25], [sflag:$0x3], $0x80, v3, vm0, $0xb8;
	[tilespmem:$0x1E800] =	vst v63  }
0x65: {  	s19 =	simm.s32 $0xC000  }
0x66: {  	[hbm4b:s2+s3] =	stream.indirect_vreg.scatter [tilespmem:s19], [sflag:$0x3], $0x80, v3, vm0, $0xb8;
	[tilespmem:$0x1E800] =	vst v63  }
0x67: {  	v3 =	vld [tilespmem:$0x4C0];
	_ =	sdelay $0x4  }
0x68: {  	v63 =	vshrl.u32 v3, $0x3  }
0x69: {  	v4 =	vmul.u32 $0x30, v63  }
0x6a: {  	v3 =	vand.u32 $0x7, v3  }
0x6b: {  	v3 =	vor.u32 v3, v4  }
0x6c: {  	v4 =	vperm.xlane v3, v0;
	_ =	sdelay $0x1  }
0x6d: {  	v4 =	vadd.s32 v1, v4;
	_ =	sdelay $0x3  }
0x6e: {  	s30 =	simm.s32 $0xD800;
	s24 =	simm.s32 $0xC800;
	v3 =	vperm.xlane v3, v2  }
0x6f: {  	[hbm4b:s7+s3] =	stream.indirect_vreg.scatter [tilespmem:s24], [sflag:$0x3], $0x80, v4, vm0, $0xb8;
	[tilespmem:$0x1E800] =	vst v63  }
0x70: {  	s8 =	simm.s32 $0xF000;
	s10 =	simm.s32 $0x800;
	s25 =	simm.s32 $0xD000;
	v3 =	vadd.s32 v1, v3  }
0x71: {  	[hbm4b:s31+s3] =	stream.indirect_vreg.scatter [tilespmem:s25], [sflag:$0x3], $0x80, v4, vm0, $0xb8;
	[tilespmem:$0x1E800] =	vst v63  }
0x72: {  	s28 =	simm.s32 $0xE000;
	s20 =	simm.s32 $0x4000;
	s21 =	simm.s32 $0x4800  }
0x73: {  	[hbm4b:s2+s3] =	stream.indirect_vreg.scatter [tilespmem:s30], [sflag:$0x3], $0x80, v4, vm0, $0xb8;
	[tilespmem:$0x1E800] =	vst v63  }
0x74: {  	s22 =	simm.s32 $0x5000;
	s23 =	simm.s32 $0x5800;
	s9 =	simm.s32 $0x6800  }
0x75: {  	[hbm4b:s7+s3] =	stream.indirect_vreg.scatter [tilespmem:s28], [sflag:$0x3], $0x80, v3, vm0, $0xb8;
	[tilespmem:$0x1E800] =	vst v63  }
0x76: {  	s11 =	simm.s32 $0x7000;
	s12 =	simm.s32 $0x7800;
	s30 =	simm.s32 $0xE800  }
0x77: {  	[hbm4b:s31+s3] =	stream.indirect_vreg.scatter [tilespmem:s30], [sflag:$0x3], $0x80, v3, vm0, $0xb8;
	[tilespmem:$0x1E800] =	vst v63  }
0x78: {  	s13 =	simm.s32 $0x8000;
	s14 =	simm.s32 $0x8800;
	s15 =	simm.s32 $0x9000  }
0x79: {  	[hbm4b:s2+s3] =	stream.indirect_vreg.scatter [tilespmem:s8], [sflag:$0x3], $0x80, v3, vm0, $0xb8;
	[tilespmem:$0x1E800] =	vst v63  }
0x7a: {  	s24 =	simm.s32 $0x6000;
	s31 =	simm.s32 $0x9800;
	s2 =	rddreg [dreg:$0xf]  }
.LBB2_4:
0x7b: {  	s2 =	sadd.s32 $0xFFFFFFFF, s2  }
0x7c: {  	_ =	swait.ge [sflag:s16], $0xF000;
	p1 =	sne.s32 s2, $0x0  }
.Ltmp1:
0x7d: {  	[sflag:s16] =	ssyncset.done $0x0;
	(pc) =	sbr.rel @!p1 .LBB2_5-.Ltmp1, $4  }
0x7e: {  	[sflag:s16] =	ssyncadd.s32 $0xFFFF1000  }
0x7f: {  	_ =	swait.ge [sflag:s29], $0xF000  }
0x80: {  	[sflag:s29] =	ssyncset.done $0x0  }
0x81: {  	[sflag:s29] =	ssyncadd.s32 $0xFFFF1000  }
.LBB2_1:
0x82: {  	[dreg:$0xf] =	wrdreg s2  }
0x83: {  	s4 =	rddreg [dreg:$0x5];
	s25 =	simm.s32 $0x5  }
0x84: {  	[tilespmem:s3], [sflag:$0x5] =	stream.linear.gather [hbm4b:s4+s3], $0x500, $0x38;
	[tilespmem:$0x1E800] =	vst v63  }
0x85: {  	_ =	swait.ge [sflag:s25], $0x500  }
0x86: {  	[sflag:s25] =	ssyncset.done $0x0  }
0x87: {  	[sflag:s25] =	ssyncadd.s32 $0xFFFFFB00  }
0x88: {  	v3 =	vld [tilespmem:$0x0];
	_ =	sdelay $0x4  }
0x89: {  	v4 =	vshrl.u32 v3, $0x3  }
0x8a: {  	v4 =	vmul.u32 $0x30, v4  }
0x8b: {  	v3 =	vand.u32 $0x7, v3  }
0x8c: {  	v3 =	vor.u32 v3, v4  }
0x8d: {  	v4 =	vperm.xlane v3, v0;
	_ =	sdelay $0x1  }
0x8e: {  	v4 =	vadd.s32 v1, v4;
	_ =	sdelay $0x3  }
0x8f: {  	v3 =	vperm.xlane v3, v2  }
0x90: {  	[tilespmem:s10], [sflag:$0x1] =	stream.indirect_vreg.gather [hbm4b:s1+s3], $0x80, v4, vm0, $0xb8;
	[tilespmem:$0x1E800] =	vst v63  }
0x91: {  	s0 =	simm.s32 $0x1000;
	v3 =	vadd.s32 v1, v3  }
0x92: {  	[tilespmem:s0], [sflag:$0x1] =	stream.indirect_vreg.gather [hbm4b:s5+s3], $0x80, v4, vm0, $0xb8;
	[tilespmem:$0x1E800] =	vst v63  }
0x93: {  	s30 =	simm.s32 $0x1800  }
0x94: {  	[tilespmem:s30], [sflag:$0x1] =	stream.indirect_vreg.gather [hbm4b:s6+s3], $0x80, v4, vm0, $0xb8;
	[tilespmem:$0x1E800] =	vst v63  }
0x95: {  	s2 =	simm.s32 $0x2000  }
0x96: {  	[tilespmem:s2], [sflag:$0x1] =	stream.indirect_vreg.gather [hbm4b:s1+s3], $0x80, v3, vm0, $0xb8;
	[tilespmem:$0x1E800] =	vst v63  }
0x97: {  	s4 =	simm.s32 $0x2800  }
0x98: {  	[tilespmem:s4], [sflag:$0x1] =	stream.indirect_vreg.gather [hbm4b:s5+s3], $0x80, v3, vm0, $0xb8;
	[tilespmem:$0x1E800] =	vst v63  }
0x99: {  	s7 =	simm.s32 $0x3000  }
0x9a: {  	[tilespmem:s7], [sflag:$0x1] =	stream.indirect_vreg.gather [hbm4b:s6+s3], $0x80, v3, vm0, $0xb8;
	[tilespmem:$0x1E800] =	vst v63  }
0x9b: {  	v3 =	vld [tilespmem:$0x10];
	_ =	sdelay $0x4  }
0x9c: {  	v20 =	vshrl.u32 v3, $0x3  }
0x9d: {  	v4 =	vmul.u32 $0x30, v20  }
0x9e: {  	v3 =	vand.u32 $0x7, v3  }
0x9f: {  	v3 =	vor.u32 v3, v4  }
0xa0: {  	v4 =	vperm.xlane v3, v0;
	_ =	sdelay $0x1  }
0xa1: {  	v4 =	vadd.s32 v1, v4;
	_ =	sdelay $0x3  }
0xa2: {  	s8 =	simm.s32 $0x3800;
	v3 =	vperm.xlane v3, v2  }
0xa3: {  	[tilespmem:s8], [sflag:$0x1] =	stream.indirect_vreg.gather [hbm4b:s1+s3], $0x80, v4, vm0, $0xb8;
	[tilespmem:$0x1E800] =	vst v63  }
0xa4: {  	v3 =	vadd.s32 v1, v3  }
0xa5: {  	[tilespmem:s20], [sflag:$0x1] =	stream.indirect_vreg.gather [hbm4b:s5+s3], $0x80, v4, vm0, $0xb8;
	[tilespmem:$0x1E800] =	vst v63  }
0xa6: {  	_ = 	snop  }
0xa7: {  	[tilespmem:s21], [sflag:$0x1] =	stream.indirect_vreg.gather [hbm4b:s6+s3], $0x80, v4, vm0, $0xb8;
	[tilespmem:$0x1E800] =	vst v63  }
0xa8: {  	_ = 	snop  }
0xa9: {  	[tilespmem:s22], [sflag:$0x1] =	stream.indirect_vreg.gather [hbm4b:s1+s3], $0x80, v3, vm0, $0xb8;
	[tilespmem:$0x1E800] =	vst v63  }
0xaa: {  	_ = 	snop  }
0xab: {  	[tilespmem:s23], [sflag:$0x1] =	stream.indirect_vreg.gather [hbm4b:s5+s3], $0x80, v3, vm0, $0xb8;
	[tilespmem:$0x1E800] =	vst v63  }
0xac: {  	_ = 	snop  }
0xad: {  	[tilespmem:s24], [sflag:$0x1] =	stream.indirect_vreg.gather [hbm4b:s6+s3], $0x80, v3, vm0, $0xb8;
	[tilespmem:$0x1E800] =	vst v63  }
0xae: {  	v3 =	vld [tilespmem:$0x20];
	_ =	sdelay $0x4  }
0xaf: {  	v21 =	vshrl.u32 v3, $0x3  }
0xb0: {  	v4 =	vmul.u32 $0x30, v21  }
0xb1: {  	v3 =	vand.u32 $0x7, v3  }
0xb2: {  	v3 =	vor.u32 v3, v4  }
0xb3: {  	v4 =	vperm.xlane v3, v0;
	_ =	sdelay $0x1  }
0xb4: {  	v4 =	vadd.s32 v1, v4;
	_ =	sdelay $0x3  }
0xb5: {  	v3 =	vperm.xlane v3, v2  }
0xb6: {  	[tilespmem:s9], [sflag:$0x1] =	stream.indirect_vreg.gather [hbm4b:s1+s3], $0x80, v4, vm0, $0xb8;
	[tilespmem:$0x1E800] =	vst v63  }
0xb7: {  	v3 =	vadd.s32 v1, v3  }
0xb8: {  	[tilespmem:s11], [sflag:$0x1] =	stream.indirect_vreg.gather [hbm4b:s5+s3], $0x80, v4, vm0, $0xb8;
	[tilespmem:$0x1E800] =	vst v63  }
0xb9: {  	_ = 	snop  }
0xba: {  	[tilespmem:s12], [sflag:$0x1] =	stream.indirect_vreg.gather [hbm4b:s6+s3], $0x80, v4, vm0, $0xb8;
	[tilespmem:$0x1E800] =	vst v63  }
0xbb: {  	_ = 	snop  }
0xbc: {  	[tilespmem:s13], [sflag:$0x1] =	stream.indirect_vreg.gather [hbm4b:s1+s3], $0x80, v3, vm0, $0xb8;
	[tilespmem:$0x1E800] =	vst v63  }
0xbd: {  	_ = 	snop  }
0xbe: {  	[tilespmem:s14], [sflag:$0x1] =	stream.indirect_vreg.gather [hbm4b:s5+s3], $0x80, v3, vm0, $0xb8;
	[tilespmem:$0x1E800] =	vst v63  }
0xbf: {  	_ = 	snop  }
0xc0: {  	[tilespmem:s15], [sflag:$0x1] =	stream.indirect_vreg.gather [hbm4b:s6+s3], $0x80, v3, vm0, $0xb8;
	[tilespmem:$0x1E800] =	vst v63  }
0xc1: {  	v3 =	vld [tilespmem:$0x30];
	_ =	sdelay $0x4  }
0xc2: {  	v22 =	vshrl.u32 v3, $0x3  }
0xc3: {  	v4 =	vmul.u32 $0x30, v22  }
0xc4: {  	v3 =	vand.u32 $0x7, v3  }
0xc5: {  	v3 =	vor.u32 v3, v4  }
0xc6: {  	v4 =	vperm.xlane v3, v0;
	_ =	sdelay $0x1  }
0xc7: {  	v4 =	vadd.s32 v1, v4;
	_ =	sdelay $0x3  }
0xc8: {  	v3 =	vperm.xlane v3, v2  }
0xc9: {  	[tilespmem:s31], [sflag:$0x1] =	stream.indirect_vreg.gather [hbm4b:s1+s3], $0x80, v4, vm0, $0xb8;
	[tilespmem:$0x1E800] =	vst v63  }
0xca: {  	s15 =	simm.s32 $0xA000;
	v3 =	vadd.s32 v1, v3  }
0xcb: {  	[tilespmem:s15], [sflag:$0x1] =	stream.indirect_vreg.gather [hbm4b:s5+s3], $0x80, v4, vm0, $0xb8;
	[tilespmem:$0x1E800] =	vst v63  }
0xcc: {  	s18 =	simm.s32 $0xA800  }
0xcd: {  	[tilespmem:s18], [sflag:$0x1] =	stream.indirect_vreg.gather [hbm4b:s6+s3], $0x80, v4, vm0, $0xb8;
	[tilespmem:$0x1E800] =	vst v63  }
0xce: {  	s19 =	simm.s32 $0xB000  }
0xcf: {  	[tilespmem:s19], [sflag:$0x1] =	stream.indirect_vreg.gather [hbm4b:s1+s3], $0x80, v3, vm0, $0xb8;
	[tilespmem:$0x1E800] =	vst v63  }
0xd0: {  	s20 =	simm.s32 $0xB800  }
0xd1: {  	[tilespmem:s20], [sflag:$0x1] =	stream.indirect_vreg.gather [hbm4b:s5+s3], $0x80, v3, vm0, $0xb8;
	[tilespmem:$0x1E800] =	vst v63  }
0xd2: {  	s21 =	simm.s32 $0xC000  }
0xd3: {  	[tilespmem:s21], [sflag:$0x1] =	stream.indirect_vreg.gather [hbm4b:s6+s3], $0x80, v3, vm0, $0xb8;
	[tilespmem:$0x1E800] =	vst v63  }
0xd4: {  	v3 =	vld [tilespmem:$0x40];
	_ =	sdelay $0x4  }
0xd5: {  	v23 =	vshrl.u32 v3, $0x3  }
0xd6: {  	v4 =	vmul.u32 $0x30, v23  }
0xd7: {  	v3 =	vand.u32 $0x7, v3  }
0xd8: {  	v3 =	vor.u32 v3, v4  }
0xd9: {  	v4 =	vperm.xlane v3, v0;
	_ =	sdelay $0x1  }
0xda: {  	v4 =	vadd.s32 v1, v4;
	_ =	sdelay $0x3  }
0xdb: {  	s23 =	simm.s32 $0xC800;
	v3 =	vperm.xlane v3, v2  }
0xdc: {  	[tilespmem:s23], [sflag:$0x1] =	stream.indirect_vreg.gather [hbm4b:s1+s3], $0x80, v4, vm0, $0xb8;
	[tilespmem:$0x1E800] =	vst v63  }
0xdd: {  	s24 =	simm.s32 $0xD000;
	v3 =	vadd.s32 v1, v3  }
0xde: {  	[tilespmem:s24], [sflag:$0x1] =	stream.indirect_vreg.gather [hbm4b:s5+s3], $0x80, v4, vm0, $0xb8;
	[tilespmem:$0x1E800] =	vst v63  }
0xdf: {  	s25 =	simm.s32 $0xD800  }
0xe0: {  	[tilespmem:s25], [sflag:$0x1] =	stream.indirect_vreg.gather [hbm4b:s6+s3], $0x80, v4, vm0, $0xb8;
	[tilespmem:$0x1E800] =	vst v63  }
0xe1: {  	s30 =	simm.s32 $0xE000  }
0xe2: {  	[tilespmem:s30], [sflag:$0x1] =	stream.indirect_vreg.gather [hbm4b:s1+s3], $0x80, v3, vm0, $0xb8;
	[tilespmem:$0x1E800] =	vst v63  }
0xe3: {  	s2 =	simm.s32 $0xE800  }
0xe4: {  	[tilespmem:s2], [sflag:$0x1] =	stream.indirect_vreg.gather [hbm4b:s5+s3], $0x80, v3, vm0, $0xb8;
	[tilespmem:$0x1E800] =	vst v63  }
0xe5: {  	s7 =	simm.s32 $0xF000  }
0xe6: {  	[tilespmem:s7], [sflag:$0x1] =	stream.indirect_vreg.gather [hbm4b:s6+s3], $0x80, v3, vm0, $0xb8;
	[tilespmem:$0x1E800] =	vst v63  }
0xe7: {  	v3 =	vld [tilespmem:$0x80];
	_ =	sdelay $0x4  }
0xe8: {  	v24 =	vshrl.u32 v3, $0x3  }
0xe9: {  	v4 =	vmul.u32 $0x30, v24  }
0xea: {  	v3 =	vand.u32 $0x7, v3  }
0xeb: {  	v3 =	vor.u32 v3, v4  }
0xec: {  	v4 =	vperm.xlane v3, v0;
	_ =	sdelay $0x1  }
0xed: {  	v4 =	vadd.s32 v1, v4;
	_ =	sdelay $0x3  }
0xee: {  	s8 =	simm.s32 $0xF800;
	v3 =	vperm.xlane v3, v2  }
0xef: {  	[tilespmem:s8], [sflag:$0x2] =	stream.indirect_vreg.gather [hbm4b:s1+s3], $0x80, v4, vm0, $0xb8;
	[tilespmem:$0x1E800] =	vst v63  }
0xf0: {  	s9 =	simm.s32 $0x10000;
	v3 =	vadd.s32 v1, v3  }
0xf1: {  	[tilespmem:s9], [sflag:$0x2] =	stream.indirect_vreg.gather [hbm4b:s5+s3], $0x80, v4, vm0, $0xb8;
	[tilespmem:$0x1E800] =	vst v63  }
0xf2: {  	s11 =	simm.s32 $0x10800  }
0xf3: {  	[tilespmem:s11], [sflag:$0x2] =	stream.indirect_vreg.gather [hbm4b:s6+s3], $0x80, v4, vm0, $0xb8;
	[tilespmem:$0x1E800] =	vst v63  }
0xf4: {  	s12 =	simm.s32 $0x11000  }
0xf5: {  	[tilespmem:s12], [sflag:$0x2] =	stream.indirect_vreg.gather [hbm4b:s1+s3], $0x80, v3, vm0, $0xb8;
	[tilespmem:$0x1E800] =	vst v63  }
0xf6: {  	s13 =	simm.s32 $0x11800  }
0xf7: {  	[tilespmem:s13], [sflag:$0x2] =	stream.indirect_vreg.gather [hbm4b:s5+s3], $0x80, v3, vm0, $0xb8;
	[tilespmem:$0x1E800] =	vst v63  }
0xf8: {  	s18 =	simm.s32 $0x12000  }
0xf9: {  	[tilespmem:s18], [sflag:$0x2] =	stream.indirect_vreg.gather [hbm4b:s6+s3], $0x80, v3, vm0, $0xb8;
	[tilespmem:$0x1E800] =	vst v63  }
0xfa: {  	v3 =	vld [tilespmem:$0x90];
	_ =	sdelay $0x4  }
0xfb: {  	v25 =	vshrl.u32 v3, $0x3  }
0xfc: {  	v4 =	vmul.u32 $0x30, v25  }
0xfd: {  	v3 =	vand.u32 $0x7, v3  }
0xfe: {  	v3 =	vor.u32 v3, v4  }
0xff: {  	v4 =	vperm.xlane v3, v0;
	_ =	sdelay $0x1  }
0x100: {  	v4 =	vadd.s32 v1, v4;
	_ =	sdelay $0x3  }
0x101: {  	s19 =	simm.s32 $0x12800;
	v3 =	vperm.xlane v3, v2  }
0x102: {  	[tilespmem:s19], [sflag:$0x2] =	stream.indirect_vreg.gather [hbm4b:s1+s3], $0x80, v4, vm0, $0xb8;
	[tilespmem:$0x1E800] =	vst v63  }
0x103: {  	s20 =	simm.s32 $0x13000;
	v3 =	vadd.s32 v1, v3  }
0x104: {  	[tilespmem:s20], [sflag:$0x2] =	stream.indirect_vreg.gather [hbm4b:s5+s3], $0x80, v4, vm0, $0xb8;
	[tilespmem:$0x1E800] =	vst v63  }
0x105: {  	s21 =	simm.s32 $0x13800  }
0x106: {  	[tilespmem:s21], [sflag:$0x2] =	stream.indirect_vreg.gather [hbm4b:s6+s3], $0x80, v4, vm0, $0xb8;
	[tilespmem:$0x1E800] =	vst v63  }
0x107: {  	s24 =	simm.s32 $0x14000  }
0x108: {  	[tilespmem:s24], [sflag:$0x2] =	stream.indirect_vreg.gather [hbm4b:s1+s3], $0x80, v3, vm0, $0xb8;
	[tilespmem:$0x1E800] =	vst v63  }
0x109: {  	s25 =	simm.s32 $0x14800  }
0x10a: {  	[tilespmem:s25], [sflag:$0x2] =	stream.indirect_vreg.gather [hbm4b:s5+s3], $0x80, v3, vm0, $0xb8;
	[tilespmem:$0x1E800] =	vst v63  }
0x10b: {  	s30 =	simm.s32 $0x15000  }
0x10c: {  	[tilespmem:s30], [sflag:$0x2] =	stream.indirect_vreg.gather [hbm4b:s6+s3], $0x80, v3, vm0, $0xb8;
	[tilespmem:$0x1E800] =	vst v63  }
0x10d: {  	v3 =	vld [tilespmem:$0xA0];
	_ =	sdelay $0x4  }
0x10e: {  	v26 =	vshrl.u32 v3, $0x3  }
0x10f: {  	v4 =	vmul.u32 $0x30, v26  }
0x110: {  	v3 =	vand.u32 $0x7, v3  }
0x111: {  	v3 =	vor.u32 v3, v4  }
0x112: {  	v4 =	vperm.xlane v3, v0;
	_ =	sdelay $0x1  }
0x113: {  	v4 =	vadd.s32 v1, v4;
	_ =	sdelay $0x3  }
0x114: {  	s7 =	simm.s32 $0x15800;
	v3 =	vperm.xlane v3, v2  }
0x115: {  	[tilespmem:s7], [sflag:$0x2] =	stream.indirect_vreg.gather [hbm4b:s1+s3], $0x80, v4, vm0, $0xb8;
	[tilespmem:$0x1E800] =	vst v63  }
0x116: {  	s8 =	simm.s32 $0x16000;
	v3 =	vadd.s32 v1, v3  }
0x117: {  	[tilespmem:s8], [sflag:$0x2] =	stream.indirect_vreg.gather [hbm4b:s5+s3], $0x80, v4, vm0, $0xb8;
	[tilespmem:$0x1E800] =	vst v63  }
0x118: {  	s9 =	simm.s32 $0x16800  }
0x119: {  	[tilespmem:s9], [sflag:$0x2] =	stream.indirect_vreg.gather [hbm4b:s6+s3], $0x80, v4, vm0, $0xb8;
	[tilespmem:$0x1E800] =	vst v63  }
0x11a: {  	s18 =	simm.s32 $0x17000  }
0x11b: {  	[tilespmem:s18], [sflag:$0x2] =	stream.indirect_vreg.gather [hbm4b:s1+s3], $0x80, v3, vm0, $0xb8;
	[tilespmem:$0x1E800] =	vst v63  }
0x11c: {  	s19 =	simm.s32 $0x17800  }
0x11d: {  	[tilespmem:s19], [sflag:$0x2] =	stream.indirect_vreg.gather [hbm4b:s5+s3], $0x80, v3, vm0, $0xb8;
	[tilespmem:$0x1E800] =	vst v63  }
0x11e: {  	s20 =	simm.s32 $0x18000  }
0x11f: {  	[tilespmem:s20], [sflag:$0x2] =	stream.indirect_vreg.gather [hbm4b:s6+s3], $0x80, v3, vm0, $0xb8;
	[tilespmem:$0x1E800] =	vst v63  }
0x120: {  	v3 =	vld [tilespmem:$0xB0];
	_ =	sdelay $0x4  }
0x121: {  	v27 =	vshrl.u32 v3, $0x3  }
0x122: {  	v4 =	vmul.u32 $0x30, v27  }
0x123: {  	v3 =	vand.u32 $0x7, v3  }
0x124: {  	v3 =	vor.u32 v3, v4  }
0x125: {  	v4 =	vperm.xlane v3, v0;
	_ =	sdelay $0x1  }
0x126: {  	v4 =	vadd.s32 v1, v4;
	_ =	sdelay $0x3  }
0x127: {  	s21 =	simm.s32 $0x18800;
	v3 =	vperm.xlane v3, v2  }
0x128: {  	[tilespmem:s21], [sflag:$0x2] =	stream.indirect_vreg.gather [hbm4b:s1+s3], $0x80, v4, vm0, $0xb8;
	[tilespmem:$0x1E800] =	vst v63  }
0x129: {  	s24 =	simm.s32 $0x19000;
	v3 =	vadd.s32 v1, v3  }
0x12a: {  	[tilespmem:s24], [sflag:$0x2] =	stream.indirect_vreg.gather [hbm4b:s5+s3], $0x80, v4, vm0, $0xb8;
	[tilespmem:$0x1E800] =	vst v63  }
0x12b: {  	s25 =	simm.s32 $0x19800  }
0x12c: {  	[tilespmem:s25], [sflag:$0x2] =	stream.indirect_vreg.gather [hbm4b:s6+s3], $0x80, v4, vm0, $0xb8;
	[tilespmem:$0x1E800] =	vst v63  }
0x12d: {  	s30 =	simm.s32 $0x1A000  }
0x12e: {  	[tilespmem:s30], [sflag:$0x2] =	stream.indirect_vreg.gather [hbm4b:s1+s3], $0x80, v3, vm0, $0xb8;
	[tilespmem:$0x1E800] =	vst v63  }
0x12f: {  	s7 =	simm.s32 $0x1A800  }
0x130: {  	[tilespmem:s7], [sflag:$0x2] =	stream.indirect_vreg.gather [hbm4b:s5+s3], $0x80, v3, vm0, $0xb8;
	[tilespmem:$0x1E800] =	vst v63  }
0x131: {  	s8 =	simm.s32 $0x1B000  }
0x132: {  	[tilespmem:s8], [sflag:$0x2] =	stream.indirect_vreg.gather [hbm4b:s6+s3], $0x80, v3, vm0, $0xb8;
	[tilespmem:$0x1E800] =	vst v63  }
0x133: {  	v3 =	vld [tilespmem:$0xC0];
	_ =	sdelay $0x4  }
0x134: {  	v28 =	vshrl.u32 v3, $0x3  }
0x135: {  	v4 =	vmul.u32 $0x30, v28  }
0x136: {  	v3 =	vand.u32 $0x7, v3  }
0x137: {  	v3 =	vor.u32 v3, v4  }
0x138: {  	v4 =	vperm.xlane v3, v0;
	_ =	sdelay $0x1  }
0x139: {  	v4 =	vadd.s32 v1, v4;
	_ =	sdelay $0x3  }
0x13a: {  	s9 =	simm.s32 $0x1B800;
	v3 =	vperm.xlane v3, v2  }
0x13b: {  	[tilespmem:s9], [sflag:$0x2] =	stream.indirect_vreg.gather [hbm4b:s1+s3], $0x80, v4, vm0, $0xb8;
	[tilespmem:$0x1E800] =	vst v63  }
0x13c: {  	s18 =	simm.s32 $0x1C000;
	v3 =	vadd.s32 v1, v3  }
0x13d: {  	[tilespmem:s18], [sflag:$0x2] =	stream.indirect_vreg.gather [hbm4b:s5+s3], $0x80, v4, vm0, $0xb8;
	[tilespmem:$0x1E800] =	vst v63  }
0x13e: {  	s19 =	simm.s32 $0x1C800  }
0x13f: {  	[tilespmem:s19], [sflag:$0x2] =	stream.indirect_vreg.gather [hbm4b:s6+s3], $0x80, v4, vm0, $0xb8;
	[tilespmem:$0x1E800] =	vst v63  }
0x140: {  	s25 =	simm.s32 $0x1D000  }
0x141: {  	[tilespmem:s25], [sflag:$0x2] =	stream.indirect_vreg.gather [hbm4b:s1+s3], $0x80, v3, vm0, $0xb8;
	[tilespmem:$0x1E800] =	vst v63  }
0x142: {  	s30 =	simm.s32 $0x1D800  }
0x143: {  	[tilespmem:s30], [sflag:$0x2] =	stream.indirect_vreg.gather [hbm4b:s5+s3], $0x80, v3, vm0, $0xb8;
	[tilespmem:$0x1E800] =	vst v63  }
0x144: {  	s7 =	simm.s32 $0x1E000  }
0x145: {  	[tilespmem:s7], [sflag:$0x2] =	stream.indirect_vreg.gather [hbm4b:s6+s3], $0x80, v3, vm0, $0xb8;
	[tilespmem:$0x1E800] =	vst v63  }
0x146: {  	_ =	swait.ge [sflag:s26], $0xF000  }
0x147: {  	[sflag:s26] =	ssyncset.done $0x0  }
0x148: {  	s30 =	simm.s32 $0x2;
	s31 =	rddreg [dreg:$0x4];
	[sflag:s26] =	ssyncadd.s32 $0xFFFF1000  }
0x149: {  	[hbm4b:s31+s3] =	stream.linear.scatter [tilespmem:s10], [sflag:$0x3], $0xF000, $0x38;
	[tilespmem:$0x1E800] =	vst v63  }
0x14a: {  	_ =	swait.ge [sflag:s30], $0xF000  }
0x14b: {  	[sflag:s30] =	ssyncset.done $0x0  }
0x14c: {  	s0 =	simm.s32 $0xF800;
	s31 =	rddreg [dreg:$0x6];
	[sflag:s30] =	ssyncadd.s32 $0xFFFF1000  }
0x14d: {  	[hbm4b:s31+s3] =	stream.linear.scatter [tilespmem:s0], [sflag:$0x4], $0xF000, $0x38;
	[tilespmem:$0x1E800] =	vst v63  }
0x14e: {  	_ =	swait.ge [sflag:s29], $0xF000  }
0x14f: {  	[sflag:s29] =	ssyncset.done $0x0  }
0x150: {  	[sflag:s29] =	ssyncadd.s32 $0xFFFF1000  }
0x151: {  	v3 =	vld [tilespmem:$0x100];
	_ =	sdelay $0x4  }
0x152: {  	v29 =	vshrl.u32 v3, $0x3  }
0x153: {  	v4 =	vmul.u32 $0x30, v29  }
0x154: {  	v3 =	vand.u32 $0x7, v3  }
0x155: {  	v3 =	vor.u32 v3, v4  }
0x156: {  	v4 =	vperm.xlane v3, v0;
	_ =	sdelay $0x1  }
0x157: {  	v4 =	vadd.s32 v1, v4;
	_ =	sdelay $0x3  }
0x158: {  	v3 =	vperm.xlane v3, v2  }
0x159: {  	[tilespmem:s10], [sflag:$0x1] =	stream.indirect_vreg.gather [hbm4b:s1+s3], $0x80, v4, vm0, $0xb8;
	[tilespmem:$0x1E800] =	vst v63  }
0x15a: {  	s17 =	simm.s32 $0x1000;
	v3 =	vadd.s32 v1, v3  }
0x15b: {  	[tilespmem:s17], [sflag:$0x1] =	stream.indirect_vreg.gather [hbm4b:s5+s3], $0x80, v4, vm0, $0xb8;
	[tilespmem:$0x1E800] =	vst v63  }
0x15c: {  	s19 =	simm.s32 $0x1800  }
0x15d: {  	[tilespmem:s19], [sflag:$0x1] =	stream.indirect_vreg.gather [hbm4b:s6+s3], $0x80, v4, vm0, $0xb8;
	[tilespmem:$0x1E800] =	vst v63  }
0x15e: {  	s17 =	simm.s32 $0x2000  }
0x15f: {  	[tilespmem:s17], [sflag:$0x1] =	stream.indirect_vreg.gather [hbm4b:s1+s3], $0x80, v3, vm0, $0xb8;
	[tilespmem:$0x1E800] =	vst v63  }
0x160: {  	s18 =	simm.s32 $0x2800  }
0x161: {  	[tilespmem:s18], [sflag:$0x1] =	stream.indirect_vreg.gather [hbm4b:s5+s3], $0x80, v3, vm0, $0xb8;
	[tilespmem:$0x1E800] =	vst v63  }
0x162: {  	s25 =	simm.s32 $0x3000  }
0x163: {  	[tilespmem:s25], [sflag:$0x1] =	stream.indirect_vreg.gather [hbm4b:s6+s3], $0x80, v3, vm0, $0xb8;
	[tilespmem:$0x1E800] =	vst v63  }
0x164: {  	v3 =	vld [tilespmem:$0x110];
	_ =	sdelay $0x4  }
0x165: {  	v30 =	vshrl.u32 v3, $0x3  }
0x166: {  	v4 =	vmul.u32 $0x30, v30  }
0x167: {  	v3 =	vand.u32 $0x7, v3  }
0x168: {  	v3 =	vor.u32 v3, v4  }
0x169: {  	v4 =	vperm.xlane v3, v0;
	_ =	sdelay $0x1  }
0x16a: {  	v4 =	vadd.s32 v1, v4;
	_ =	sdelay $0x3  }
0x16b: {  	s7 =	simm.s32 $0x3800;
	v3 =	vperm.xlane v3, v2  }
0x16c: {  	[tilespmem:s7], [sflag:$0x1] =	stream.indirect_vreg.gather [hbm4b:s1+s3], $0x80, v4, vm0, $0xb8;
	[tilespmem:$0x1E800] =	vst v63  }
0x16d: {  	s8 =	simm.s32 $0x4000;
	v3 =	vadd.s32 v1, v3  }
0x16e: {  	[tilespmem:s8], [sflag:$0x1] =	stream.indirect_vreg.gather [hbm4b:s5+s3], $0x80, v4, vm0, $0xb8;
	[tilespmem:$0x1E800] =	vst v63  }
0x16f: {  	s9 =	simm.s32 $0x4800  }
0x170: {  	[tilespmem:s9], [sflag:$0x1] =	stream.indirect_vreg.gather [hbm4b:s6+s3], $0x80, v4, vm0, $0xb8;
	[tilespmem:$0x1E800] =	vst v63  }
0x171: {  	s8 =	simm.s32 $0x5000  }
0x172: {  	[tilespmem:s8], [sflag:$0x1] =	stream.indirect_vreg.gather [hbm4b:s1+s3], $0x80, v3, vm0, $0xb8;
	[tilespmem:$0x1E800] =	vst v63  }
0x173: {  	s9 =	simm.s32 $0x5800  }
0x174: {  	[tilespmem:s9], [sflag:$0x1] =	stream.indirect_vreg.gather [hbm4b:s5+s3], $0x80, v3, vm0, $0xb8;
	[tilespmem:$0x1E800] =	vst v63  }
0x175: {  	s8 =	simm.s32 $0x6000  }
0x176: {  	[tilespmem:s8], [sflag:$0x1] =	stream.indirect_vreg.gather [hbm4b:s6+s3], $0x80, v3, vm0, $0xb8;
	[tilespmem:$0x1E800] =	vst v63  }
0x177: {  	v3 =	vld [tilespmem:$0x120];
	_ =	sdelay $0x4  }
0x178: {  	v31 =	vshrl.u32 v3, $0x3  }
0x179: {  	v4 =	vmul.u32 $0x30, v31  }
0x17a: {  	v3 =	vand.u32 $0x7, v3  }
0x17b: {  	v3 =	vor.u32 v3, v4  }
0x17c: {  	v4 =	vperm.xlane v3, v0;
	_ =	sdelay $0x1  }
0x17d: {  	v4 =	vadd.s32 v1, v4;
	_ =	sdelay $0x3  }
0x17e: {  	s9 =	simm.s32 $0x6800;
	v3 =	vperm.xlane v3, v2  }
0x17f: {  	[tilespmem:s9], [sflag:$0x1] =	stream.indirect_vreg.gather [hbm4b:s1+s3], $0x80, v4, vm0, $0xb8;
	[tilespmem:$0x1E800] =	vst v63  }
0x180: {  	s8 =	simm.s32 $0x7000;
	v3 =	vadd.s32 v1, v3  }
0x181: {  	[tilespmem:s8], [sflag:$0x1] =	stream.indirect_vreg.gather [hbm4b:s5+s3], $0x80, v4, vm0, $0xb8;
	[tilespmem:$0x1E800] =	vst v63  }
0x182: {  	s9 =	simm.s32 $0x7800  }
0x183: {  	[tilespmem:s9], [sflag:$0x1] =	stream.indirect_vreg.gather [hbm4b:s6+s3], $0x80, v4, vm0, $0xb8;
	[tilespmem:$0x1E800] =	vst v63  }
0x184: {  	s8 =	simm.s32 $0x8000  }
0x185: {  	[tilespmem:s8], [sflag:$0x1] =	stream.indirect_vreg.gather [hbm4b:s1+s3], $0x80, v3, vm0, $0xb8;
	[tilespmem:$0x1E800] =	vst v63  }
0x186: {  	s9 =	simm.s32 $0x8800  }
0x187: {  	[tilespmem:s9], [sflag:$0x1] =	stream.indirect_vreg.gather [hbm4b:s5+s3], $0x80, v3, vm0, $0xb8;
	[tilespmem:$0x1E800] =	vst v63  }
0x188: {  	s8 =	simm.s32 $0x9000  }
0x189: {  	[tilespmem:s8], [sflag:$0x1] =	stream.indirect_vreg.gather [hbm4b:s6+s3], $0x80, v3, vm0, $0xb8;
	[tilespmem:$0x1E800] =	vst v63  }
0x18a: {  	v3 =	vld [tilespmem:$0x130];
	_ =	sdelay $0x4  }
0x18b: {  	v32 =	vshrl.u32 v3, $0x3  }
0x18c: {  	v4 =	vmul.u32 $0x30, v32  }
0x18d: {  	v3 =	vand.u32 $0x7, v3  }
0x18e: {  	v3 =	vor.u32 v3, v4  }
0x18f: {  	v4 =	vperm.xlane v3, v0;
	_ =	sdelay $0x1  }
0x190: {  	v4 =	vadd.s32 v1, v4;
	_ =	sdelay $0x3  }
0x191: {  	s8 =	simm.s32 $0x9800;
	v3 =	vperm.xlane v3, v2  }
0x192: {  	[tilespmem:s8], [sflag:$0x1] =	stream.indirect_vreg.gather [hbm4b:s1+s3], $0x80, v4, vm0, $0xb8;
	[tilespmem:$0x1E800] =	vst v63  }
0x193: {  	s4 =	simm.s32 $0xA000;
	v3 =	vadd.s32 v1, v3  }
0x194: {  	[tilespmem:s4], [sflag:$0x1] =	stream.indirect_vreg.gather [hbm4b:s5+s3], $0x80, v4, vm0, $0xb8;
	[tilespmem:$0x1E800] =	vst v63  }
0x195: {  	s14 =	simm.s32 $0xA800  }
0x196: {  	[tilespmem:s14], [sflag:$0x1] =	stream.indirect_vreg.gather [hbm4b:s6+s3], $0x80, v4, vm0, $0xb8;
	[tilespmem:$0x1E800] =	vst v63  }
0x197: {  	s15 =	simm.s32 $0xB000  }
0x198: {  	[tilespmem:s15], [sflag:$0x1] =	stream.indirect_vreg.gather [hbm4b:s1+s3], $0x80, v3, vm0, $0xb8;
	[tilespmem:$0x1E800] =	vst v63  }
0x199: {  	s22 =	simm.s32 $0xB800  }
0x19a: {  	[tilespmem:s22], [sflag:$0x1] =	stream.indirect_vreg.gather [hbm4b:s5+s3], $0x80, v3, vm0, $0xb8;
	[tilespmem:$0x1E800] =	vst v63  }
0x19b: {  	s4 =	simm.s32 $0xC000  }
0x19c: {  	[tilespmem:s4], [sflag:$0x1] =	stream.indirect_vreg.gather [hbm4b:s6+s3], $0x80, v3, vm0, $0xb8;
	[tilespmem:$0x1E800] =	vst v63  }
0x19d: {  	v3 =	vld [tilespmem:$0x140];
	_ =	sdelay $0x4  }
0x19e: {  	v33 =	vshrl.u32 v3, $0x3  }
0x19f: {  	v4 =	vmul.u32 $0x30, v33  }
0x1a0: {  	v3 =	vand.u32 $0x7, v3  }
0x1a1: {  	v3 =	vor.u32 v3, v4  }
0x1a2: {  	v4 =	vperm.xlane v3, v0;
	_ =	sdelay $0x1  }
0x1a3: {  	v4 =	vadd.s32 v1, v4;
	_ =	sdelay $0x3  }
0x1a4: {  	s9 =	simm.s32 $0xC800;
	v3 =	vperm.xlane v3, v2  }
0x1a5: {  	[tilespmem:s9], [sflag:$0x1] =	stream.indirect_vreg.gather [hbm4b:s1+s3], $0x80, v4, vm0, $0xb8;
	[tilespmem:$0x1E800] =	vst v63  }
0x1a6: {  	s23 =	simm.s32 $0xD000;
	v3 =	vadd.s32 v1, v3  }
0x1a7: {  	[tilespmem:s23], [sflag:$0x1] =	stream.indirect_vreg.gather [hbm4b:s5+s3], $0x80, v4, vm0, $0xb8;
	[tilespmem:$0x1E800] =	vst v63  }
0x1a8: {  	s28 =	simm.s32 $0xD800  }
0x1a9: {  	[tilespmem:s28], [sflag:$0x1] =	stream.indirect_vreg.gather [hbm4b:s6+s3], $0x80, v4, vm0, $0xb8;
	[tilespmem:$0x1E800] =	vst v63  }
0x1aa: {  	s9 =	simm.s32 $0xE000  }
0x1ab: {  	[tilespmem:s9], [sflag:$0x1] =	stream.indirect_vreg.gather [hbm4b:s1+s3], $0x80, v3, vm0, $0xb8;
	[tilespmem:$0x1E800] =	vst v63  }
0x1ac: {  	s14 =	simm.s32 $0xE800  }
0x1ad: {  	[tilespmem:s14], [sflag:$0x1] =	stream.indirect_vreg.gather [hbm4b:s5+s3], $0x80, v3, vm0, $0xb8;
	[tilespmem:$0x1E800] =	vst v63  }
0x1ae: {  	s15 =	simm.s32 $0xF000  }
0x1af: {  	[tilespmem:s15], [sflag:$0x1] =	stream.indirect_vreg.gather [hbm4b:s6+s3], $0x80, v3, vm0, $0xb8;
	[tilespmem:$0x1E800] =	vst v63  }
0x1b0: {  	_ =	swait.ge [sflag:s26], $0xF000  }
0x1b1: {  	[sflag:s26] =	ssyncset.done $0x0  }
0x1b2: {  	s31 =	rddreg [dreg:$0x7];
	[sflag:s26] =	ssyncadd.s32 $0xFFFF1000  }
0x1b3: {  	[hbm4b:s31+s3] =	stream.linear.scatter [tilespmem:s10], [sflag:$0x3], $0xF000, $0x38;
	[tilespmem:$0x1E800] =	vst v63  }
0x1b4: {  	_ =	swait.ge [sflag:s16], $0xF000  }
0x1b5: {  	[sflag:s16] =	ssyncset.done $0x0  }
0x1b6: {  	[sflag:s16] =	ssyncadd.s32 $0xFFFF1000  }
0x1b7: {  	v3 =	vld [tilespmem:$0x180];
	_ =	sdelay $0x4  }
0x1b8: {  	v34 =	vshrl.u32 v3, $0x3  }
0x1b9: {  	v4 =	vmul.u32 $0x30, v34  }
0x1ba: {  	v3 =	vand.u32 $0x7, v3  }
0x1bb: {  	v3 =	vor.u32 v3, v4  }
0x1bc: {  	v4 =	vperm.xlane v3, v0;
	_ =	sdelay $0x1  }
0x1bd: {  	v4 =	vadd.s32 v1, v4;
	_ =	sdelay $0x3  }
0x1be: {  	s2 =	simm.s32 $0xF800;
	v3 =	vperm.xlane v3, v2  }
0x1bf: {  	[tilespmem:s2], [sflag:$0x2] =	stream.indirect_vreg.gather [hbm4b:s1+s3], $0x80, v4, vm0, $0xb8;
	[tilespmem:$0x1E800] =	vst v63  }
0x1c0: {  	s28 =	simm.s32 $0x10000;
	v3 =	vadd.s32 v1, v3  }
0x1c1: {  	[tilespmem:s28], [sflag:$0x2] =	stream.indirect_vreg.gather [hbm4b:s5+s3], $0x80, v4, vm0, $0xb8;
	[tilespmem:$0x1E800] =	vst v63  }
0x1c2: {  	s16 =	simm.s32 $0x10800  }
0x1c3: {  	[tilespmem:s16], [sflag:$0x2] =	stream.indirect_vreg.gather [hbm4b:s6+s3], $0x80, v4, vm0, $0xb8;
	[tilespmem:$0x1E800] =	vst v63  }
0x1c4: {  	s22 =	simm.s32 $0x11000  }
0x1c5: {  	[tilespmem:s22], [sflag:$0x2] =	stream.indirect_vreg.gather [hbm4b:s1+s3], $0x80, v3, vm0, $0xb8;
	[tilespmem:$0x1E800] =	vst v63  }
0x1c6: {  	s23 =	simm.s32 $0x11800  }
0x1c7: {  	[tilespmem:s23], [sflag:$0x2] =	stream.indirect_vreg.gather [hbm4b:s5+s3], $0x80, v3, vm0, $0xb8;
	[tilespmem:$0x1E800] =	vst v63  }
0x1c8: {  	s14 =	simm.s32 $0x12000  }
0x1c9: {  	[tilespmem:s14], [sflag:$0x2] =	stream.indirect_vreg.gather [hbm4b:s6+s3], $0x80, v3, vm0, $0xb8;
	[tilespmem:$0x1E800] =	vst v63  }
0x1ca: {  	v3 =	vld [tilespmem:$0x190];
	_ =	sdelay $0x4  }
0x1cb: {  	v35 =	vshrl.u32 v3, $0x3  }
0x1cc: {  	v4 =	vmul.u32 $0x30, v35  }
0x1cd: {  	v3 =	vand.u32 $0x7, v3  }
0x1ce: {  	v3 =	vor.u32 v3, v4  }
0x1cf: {  	v4 =	vperm.xlane v3, v0;
	_ =	sdelay $0x1  }
0x1d0: {  	v4 =	vadd.s32 v1, v4;
	_ =	sdelay $0x3  }
0x1d1: {  	s11 =	simm.s32 $0x12800;
	v3 =	vperm.xlane v3, v2  }
0x1d2: {  	[tilespmem:s11], [sflag:$0x2] =	stream.indirect_vreg.gather [hbm4b:s1+s3], $0x80, v4, vm0, $0xb8;
	[tilespmem:$0x1E800] =	vst v63  }
0x1d3: {  	s15 =	simm.s32 $0x13000;
	v3 =	vadd.s32 v1, v3  }
0x1d4: {  	[tilespmem:s15], [sflag:$0x2] =	stream.indirect_vreg.gather [hbm4b:s5+s3], $0x80, v4, vm0, $0xb8;
	[tilespmem:$0x1E800] =	vst v63  }
0x1d5: {  	s22 =	simm.s32 $0x13800  }
0x1d6: {  	[tilespmem:s22], [sflag:$0x2] =	stream.indirect_vreg.gather [hbm4b:s6+s3], $0x80, v4, vm0, $0xb8;
	[tilespmem:$0x1E800] =	vst v63  }
0x1d7: {  	s23 =	simm.s32 $0x14000  }
0x1d8: {  	[tilespmem:s23], [sflag:$0x2] =	stream.indirect_vreg.gather [hbm4b:s1+s3], $0x80, v3, vm0, $0xb8;
	[tilespmem:$0x1E800] =	vst v63  }
0x1d9: {  	s11 =	simm.s32 $0x14800  }
0x1da: {  	[tilespmem:s11], [sflag:$0x2] =	stream.indirect_vreg.gather [hbm4b:s5+s3], $0x80, v3, vm0, $0xb8;
	[tilespmem:$0x1E800] =	vst v63  }
0x1db: {  	s12 =	simm.s32 $0x15000  }
0x1dc: {  	[tilespmem:s12], [sflag:$0x2] =	stream.indirect_vreg.gather [hbm4b:s6+s3], $0x80, v3, vm0, $0xb8;
	[tilespmem:$0x1E800] =	vst v63  }
0x1dd: {  	v3 =	vld [tilespmem:$0x1A0];
	_ =	sdelay $0x4  }
0x1de: {  	v36 =	vshrl.u32 v3, $0x3  }
0x1df: {  	v4 =	vmul.u32 $0x30, v36  }
0x1e0: {  	v3 =	vand.u32 $0x7, v3  }
0x1e1: {  	v3 =	vor.u32 v3, v4  }
0x1e2: {  	v4 =	vperm.xlane v3, v0;
	_ =	sdelay $0x1  }
0x1e3: {  	v4 =	vadd.s32 v1, v4;
	_ =	sdelay $0x3  }
0x1e4: {  	s13 =	simm.s32 $0x15800;
	v3 =	vperm.xlane v3, v2  }
0x1e5: {  	[tilespmem:s13], [sflag:$0x2] =	stream.indirect_vreg.gather [hbm4b:s1+s3], $0x80, v4, vm0, $0xb8;
	[tilespmem:$0x1E800] =	vst v63  }
0x1e6: {  	s12 =	simm.s32 $0x16000;
	v3 =	vadd.s32 v1, v3  }
0x1e7: {  	[tilespmem:s12], [sflag:$0x2] =	stream.indirect_vreg.gather [hbm4b:s5+s3], $0x80, v4, vm0, $0xb8;
	[tilespmem:$0x1E800] =	vst v63  }
0x1e8: {  	s13 =	simm.s32 $0x16800  }
0x1e9: {  	[tilespmem:s13], [sflag:$0x2] =	stream.indirect_vreg.gather [hbm4b:s6+s3], $0x80, v4, vm0, $0xb8;
	[tilespmem:$0x1E800] =	vst v63  }
0x1ea: {  	s14 =	simm.s32 $0x17000  }
0x1eb: {  	[tilespmem:s14], [sflag:$0x2] =	stream.indirect_vreg.gather [hbm4b:s1+s3], $0x80, v3, vm0, $0xb8;
	[tilespmem:$0x1E800] =	vst v63  }
0x1ec: {  	s15 =	simm.s32 $0x17800  }
0x1ed: {  	[tilespmem:s15], [sflag:$0x2] =	stream.indirect_vreg.gather [hbm4b:s5+s3], $0x80, v3, vm0, $0xb8;
	[tilespmem:$0x1E800] =	vst v63  }
0x1ee: {  	s20 =	simm.s32 $0x18000  }
0x1ef: {  	[tilespmem:s20], [sflag:$0x2] =	stream.indirect_vreg.gather [hbm4b:s6+s3], $0x80, v3, vm0, $0xb8;
	[tilespmem:$0x1E800] =	vst v63  }
0x1f0: {  	v3 =	vld [tilespmem:$0x1B0];
	_ =	sdelay $0x4  }
0x1f1: {  	v37 =	vshrl.u32 v3, $0x3  }
0x1f2: {  	v4 =	vmul.u32 $0x30, v37  }
0x1f3: {  	v3 =	vand.u32 $0x7, v3  }
0x1f4: {  	v3 =	vor.u32 v3, v4  }
0x1f5: {  	v4 =	vperm.xlane v3, v0;
	_ =	sdelay $0x1  }
0x1f6: {  	v4 =	vadd.s32 v1, v4;
	_ =	sdelay $0x3  }
0x1f7: {  	s21 =	simm.s32 $0x18800;
	v3 =	vperm.xlane v3, v2  }
0x1f8: {  	[tilespmem:s21], [sflag:$0x2] =	stream.indirect_vreg.gather [hbm4b:s1+s3], $0x80, v4, vm0, $0xb8;
	[tilespmem:$0x1E800] =	vst v63  }
0x1f9: {  	s20 =	simm.s32 $0x19000;
	v3 =	vadd.s32 v1, v3  }
0x1fa: {  	[tilespmem:s20], [sflag:$0x2] =	stream.indirect_vreg.gather [hbm4b:s5+s3], $0x80, v4, vm0, $0xb8;
	[tilespmem:$0x1E800] =	vst v63  }
0x1fb: {  	s21 =	simm.s32 $0x19800  }
0x1fc: {  	[tilespmem:s21], [sflag:$0x2] =	stream.indirect_vreg.gather [hbm4b:s6+s3], $0x80, v4, vm0, $0xb8;
	[tilespmem:$0x1E800] =	vst v63  }
0x1fd: {  	s22 =	simm.s32 $0x1A000  }
0x1fe: {  	[tilespmem:s22], [sflag:$0x2] =	stream.indirect_vreg.gather [hbm4b:s1+s3], $0x80, v3, vm0, $0xb8;
	[tilespmem:$0x1E800] =	vst v63  }
0x1ff: {  	s23 =	simm.s32 $0x1A800  }
0x200: {  	[tilespmem:s23], [sflag:$0x2] =	stream.indirect_vreg.gather [hbm4b:s5+s3], $0x80, v3, vm0, $0xb8;
	[tilespmem:$0x1E800] =	vst v63  }
0x201: {  	s24 =	simm.s32 $0x1B000  }
0x202: {  	[tilespmem:s24], [sflag:$0x2] =	stream.indirect_vreg.gather [hbm4b:s6+s3], $0x80, v3, vm0, $0xb8;
	[tilespmem:$0x1E800] =	vst v63  }
0x203: {  	v3 =	vld [tilespmem:$0x1C0];
	_ =	sdelay $0x4  }
0x204: {  	v38 =	vshrl.u32 v3, $0x3  }
0x205: {  	v4 =	vmul.u32 $0x30, v38  }
0x206: {  	v3 =	vand.u32 $0x7, v3  }
0x207: {  	v3 =	vor.u32 v3, v4  }
0x208: {  	v4 =	vperm.xlane v3, v0;
	_ =	sdelay $0x1  }
0x209: {  	v4 =	vadd.s32 v1, v4;
	_ =	sdelay $0x3  }
0x20a: {  	s24 =	simm.s32 $0x1B800;
	v3 =	vperm.xlane v3, v2  }
0x20b: {  	[tilespmem:s24], [sflag:$0x2] =	stream.indirect_vreg.gather [hbm4b:s1+s3], $0x80, v4, vm0, $0xb8;
	[tilespmem:$0x1E800] =	vst v63  }
0x20c: {  	v3 =	vadd.s32 v1, v3;
	s24 =	simm.s32 $0x1C000  }
0x20d: {  	[tilespmem:s24], [sflag:$0x2] =	stream.indirect_vreg.gather [hbm4b:s5+s3], $0x80, v4, vm0, $0xb8;
	[tilespmem:$0x1E800] =	vst v63  }
0x20e: {  	s0 =	simm.s32 $0x1C800  }
0x20f: {  	[tilespmem:s0], [sflag:$0x2] =	stream.indirect_vreg.gather [hbm4b:s6+s3], $0x80, v4, vm0, $0xb8;
	[tilespmem:$0x1E800] =	vst v63  }
0x210: {  	s0 =	simm.s32 $0x1D000  }
0x211: {  	[tilespmem:s0], [sflag:$0x2] =	stream.indirect_vreg.gather [hbm4b:s1+s3], $0x80, v3, vm0, $0xb8;
	[tilespmem:$0x1E800] =	vst v63  }
0x212: {  	s0 =	simm.s32 $0x1D800  }
0x213: {  	[tilespmem:s0], [sflag:$0x2] =	stream.indirect_vreg.gather [hbm4b:s5+s3], $0x80, v3, vm0, $0xb8;
	[tilespmem:$0x1E800] =	vst v63  }
0x214: {  	s0 =	simm.s32 $0x1E000  }
0x215: {  	[tilespmem:s0], [sflag:$0x2] =	stream.indirect_vreg.gather [hbm4b:s6+s3], $0x80, v3, vm0, $0xb8;
	[tilespmem:$0x1E800] =	vst v63  }
0x216: {  	_ =	swait.ge [sflag:s30], $0xF000  }
0x217: {  	[sflag:s30] =	ssyncset.done $0x0  }
0x218: {  	s31 =	rddreg [dreg:$0x8];
	[sflag:s30] =	ssyncadd.s32 $0xFFFF1000  }
0x219: {  	[hbm4b:s31+s3] =	stream.linear.scatter [tilespmem:s2], [sflag:$0x4], $0xF000, $0x38;
	[tilespmem:$0x1E800] =	vst v63  }
0x21a: {  	_ =	swait.ge [sflag:s29], $0xF000  }
0x21b: {  	[sflag:s29] =	ssyncset.done $0x0  }
0x21c: {  	[sflag:s29] =	ssyncadd.s32 $0xFFFF1000  }
0x21d: {  	v3 =	vld [tilespmem:$0x200];
	_ =	sdelay $0x4  }
0x21e: {  	v39 =	vshrl.u32 v3, $0x3  }
0x21f: {  	v4 =	vmul.u32 $0x30, v39  }
0x220: {  	v3 =	vand.u32 $0x7, v3  }
0x221: {  	v3 =	vor.u32 v3, v4  }
0x222: {  	v4 =	vperm.xlane v3, v0;
	_ =	sdelay $0x1  }
0x223: {  	v4 =	vadd.s32 v1, v4;
	_ =	sdelay $0x3  }
0x224: {  	v3 =	vperm.xlane v3, v2  }
0x225: {  	[tilespmem:s10], [sflag:$0x1] =	stream.indirect_vreg.gather [hbm4b:s1+s3], $0x80, v4, vm0, $0xb8;
	[tilespmem:$0x1E800] =	vst v63  }
0x226: {  	s2 =	simm.s32 $0x1000;
	v3 =	vadd.s32 v1, v3  }
0x227: {  	[tilespmem:s2], [sflag:$0x1] =	stream.indirect_vreg.gather [hbm4b:s5+s3], $0x80, v4, vm0, $0xb8;
	[tilespmem:$0x1E800] =	vst v63  }
0x228: {  	_ = 	snop  }
0x229: {  	[tilespmem:s19], [sflag:$0x1] =	stream.indirect_vreg.gather [hbm4b:s6+s3], $0x80, v4, vm0, $0xb8;
	[tilespmem:$0x1E800] =	vst v63  }
0x22a: {  	_ = 	snop  }
0x22b: {  	[tilespmem:s17], [sflag:$0x1] =	stream.indirect_vreg.gather [hbm4b:s1+s3], $0x80, v3, vm0, $0xb8;
	[tilespmem:$0x1E800] =	vst v63  }
0x22c: {  	_ = 	snop  }
0x22d: {  	[tilespmem:s18], [sflag:$0x1] =	stream.indirect_vreg.gather [hbm4b:s5+s3], $0x80, v3, vm0, $0xb8;
	[tilespmem:$0x1E800] =	vst v63  }
0x22e: {  	_ = 	snop  }
0x22f: {  	[tilespmem:s25], [sflag:$0x1] =	stream.indirect_vreg.gather [hbm4b:s6+s3], $0x80, v3, vm0, $0xb8;
	[tilespmem:$0x1E800] =	vst v63  }
0x230: {  	v3 =	vld [tilespmem:$0x210];
	_ =	sdelay $0x4  }
0x231: {  	v40 =	vshrl.u32 v3, $0x3  }
0x232: {  	v4 =	vmul.u32 $0x30, v40  }
0x233: {  	v3 =	vand.u32 $0x7, v3  }
0x234: {  	v3 =	vor.u32 v3, v4  }
0x235: {  	v4 =	vperm.xlane v3, v0;
	_ =	sdelay $0x1  }
0x236: {  	v4 =	vadd.s32 v1, v4;
	_ =	sdelay $0x3  }
0x237: {  	v3 =	vperm.xlane v3, v2  }
0x238: {  	[tilespmem:s7], [sflag:$0x1] =	stream.indirect_vreg.gather [hbm4b:s1+s3], $0x80, v4, vm0, $0xb8;
	[tilespmem:$0x1E800] =	vst v63  }
0x239: {  	s17 =	simm.s32 $0x4000;
	v3 =	vadd.s32 v1, v3  }
0x23a: {  	[tilespmem:s17], [sflag:$0x1] =	stream.indirect_vreg.gather [hbm4b:s5+s3], $0x80, v4, vm0, $0xb8;
	[tilespmem:$0x1E800] =	vst v63  }
0x23b: {  	s18 =	simm.s32 $0x4800  }
0x23c: {  	[tilespmem:s18], [sflag:$0x1] =	stream.indirect_vreg.gather [hbm4b:s6+s3], $0x80, v4, vm0, $0xb8;
	[tilespmem:$0x1E800] =	vst v63  }
0x23d: {  	s19 =	simm.s32 $0x5000  }
0x23e: {  	[tilespmem:s19], [sflag:$0x1] =	stream.indirect_vreg.gather [hbm4b:s1+s3], $0x80, v3, vm0, $0xb8;
	[tilespmem:$0x1E800] =	vst v63  }
0x23f: {  	s25 =	simm.s32 $0x5800  }
0x240: {  	[tilespmem:s25], [sflag:$0x1] =	stream.indirect_vreg.gather [hbm4b:s5+s3], $0x80, v3, vm0, $0xb8;
	[tilespmem:$0x1E800] =	vst v63  }
0x241: {  	s0 =	simm.s32 $0x6000  }
0x242: {  	[tilespmem:s0], [sflag:$0x1] =	stream.indirect_vreg.gather [hbm4b:s6+s3], $0x80, v3, vm0, $0xb8;
	[tilespmem:$0x1E800] =	vst v63  }
0x243: {  	v3 =	vld [tilespmem:$0x220];
	_ =	sdelay $0x4  }
0x244: {  	v41 =	vshrl.u32 v3, $0x3  }
0x245: {  	v4 =	vmul.u32 $0x30, v41  }
0x246: {  	v3 =	vand.u32 $0x7, v3  }
0x247: {  	v3 =	vor.u32 v3, v4  }
0x248: {  	v4 =	vperm.xlane v3, v0;
	_ =	sdelay $0x1  }
0x249: {  	v4 =	vadd.s32 v1, v4;
	_ =	sdelay $0x3  }
0x24a: {  	s2 =	simm.s32 $0x6800;
	v3 =	vperm.xlane v3, v2  }
0x24b: {  	[tilespmem:s2], [sflag:$0x1] =	stream.indirect_vreg.gather [hbm4b:s1+s3], $0x80, v4, vm0, $0xb8;
	[tilespmem:$0x1E800] =	vst v63  }
0x24c: {  	s17 =	simm.s32 $0x7000;
	v3 =	vadd.s32 v1, v3  }
0x24d: {  	[tilespmem:s17], [sflag:$0x1] =	stream.indirect_vreg.gather [hbm4b:s5+s3], $0x80, v4, vm0, $0xb8;
	[tilespmem:$0x1E800] =	vst v63  }
0x24e: {  	s18 =	simm.s32 $0x7800  }
0x24f: {  	[tilespmem:s18], [sflag:$0x1] =	stream.indirect_vreg.gather [hbm4b:s6+s3], $0x80, v4, vm0, $0xb8;
	[tilespmem:$0x1E800] =	vst v63  }
0x250: {  	s19 =	simm.s32 $0x8000  }
0x251: {  	[tilespmem:s19], [sflag:$0x1] =	stream.indirect_vreg.gather [hbm4b:s1+s3], $0x80, v3, vm0, $0xb8;
	[tilespmem:$0x1E800] =	vst v63  }
0x252: {  	s25 =	simm.s32 $0x8800  }
0x253: {  	[tilespmem:s25], [sflag:$0x1] =	stream.indirect_vreg.gather [hbm4b:s5+s3], $0x80, v3, vm0, $0xb8;
	[tilespmem:$0x1E800] =	vst v63  }
0x254: {  	s0 =	simm.s32 $0x9000  }
0x255: {  	[tilespmem:s0], [sflag:$0x1] =	stream.indirect_vreg.gather [hbm4b:s6+s3], $0x80, v3, vm0, $0xb8;
	[tilespmem:$0x1E800] =	vst v63  }
0x256: {  	v3 =	vld [tilespmem:$0x230];
	_ =	sdelay $0x4  }
0x257: {  	v42 =	vshrl.u32 v3, $0x3  }
0x258: {  	v4 =	vmul.u32 $0x30, v42  }
0x259: {  	v3 =	vand.u32 $0x7, v3  }
0x25a: {  	v3 =	vor.u32 v3, v4  }
0x25b: {  	v4 =	vperm.xlane v3, v0;
	_ =	sdelay $0x1  }
0x25c: {  	v4 =	vadd.s32 v1, v4;
	_ =	sdelay $0x3  }
0x25d: {  	s2 =	simm.s32 $0x9800;
	v3 =	vperm.xlane v3, v2  }
0x25e: {  	[tilespmem:s2], [sflag:$0x1] =	stream.indirect_vreg.gather [hbm4b:s1+s3], $0x80, v4, vm0, $0xb8;
	[tilespmem:$0x1E800] =	vst v63  }
0x25f: {  	s17 =	simm.s32 $0xA000;
	v3 =	vadd.s32 v1, v3  }
0x260: {  	[tilespmem:s17], [sflag:$0x1] =	stream.indirect_vreg.gather [hbm4b:s5+s3], $0x80, v4, vm0, $0xb8;
	[tilespmem:$0x1E800] =	vst v63  }
0x261: {  	s18 =	simm.s32 $0xA800  }
0x262: {  	[tilespmem:s18], [sflag:$0x1] =	stream.indirect_vreg.gather [hbm4b:s6+s3], $0x80, v4, vm0, $0xb8;
	[tilespmem:$0x1E800] =	vst v63  }
0x263: {  	s19 =	simm.s32 $0xB000  }
0x264: {  	[tilespmem:s19], [sflag:$0x1] =	stream.indirect_vreg.gather [hbm4b:s1+s3], $0x80, v3, vm0, $0xb8;
	[tilespmem:$0x1E800] =	vst v63  }
0x265: {  	s25 =	simm.s32 $0xB800  }
0x266: {  	[tilespmem:s25], [sflag:$0x1] =	stream.indirect_vreg.gather [hbm4b:s5+s3], $0x80, v3, vm0, $0xb8;
	[tilespmem:$0x1E800] =	vst v63  }
0x267: {  	_ = 	snop  }
0x268: {  	[tilespmem:s4], [sflag:$0x1] =	stream.indirect_vreg.gather [hbm4b:s6+s3], $0x80, v3, vm0, $0xb8;
	[tilespmem:$0x1E800] =	vst v63  }
0x269: {  	v3 =	vld [tilespmem:$0x240];
	_ =	sdelay $0x4  }
0x26a: {  	v43 =	vshrl.u32 v3, $0x3  }
0x26b: {  	v4 =	vmul.u32 $0x30, v43  }
0x26c: {  	v3 =	vand.u32 $0x7, v3  }
0x26d: {  	v3 =	vor.u32 v3, v4  }
0x26e: {  	v4 =	vperm.xlane v3, v0;
	_ =	sdelay $0x1  }
0x26f: {  	v4 =	vadd.s32 v1, v4;
	_ =	sdelay $0x3  }
0x270: {  	s2 =	simm.s32 $0xC800;
	v3 =	vperm.xlane v3, v2  }
0x271: {  	[tilespmem:s2], [sflag:$0x1] =	stream.indirect_vreg.gather [hbm4b:s1+s3], $0x80, v4, vm0, $0xb8;
	[tilespmem:$0x1E800] =	vst v63  }
0x272: {  	s4 =	simm.s32 $0xD000;
	v3 =	vadd.s32 v1, v3  }
0x273: {  	[tilespmem:s4], [sflag:$0x1] =	stream.indirect_vreg.gather [hbm4b:s5+s3], $0x80, v4, vm0, $0xb8;
	[tilespmem:$0x1E800] =	vst v63  }
0x274: {  	s7 =	simm.s32 $0xD800  }
0x275: {  	[tilespmem:s7], [sflag:$0x1] =	stream.indirect_vreg.gather [hbm4b:s6+s3], $0x80, v4, vm0, $0xb8;
	[tilespmem:$0x1E800] =	vst v63  }
0x276: {  	_ = 	snop  }
0x277: {  	[tilespmem:s9], [sflag:$0x1] =	stream.indirect_vreg.gather [hbm4b:s1+s3], $0x80, v3, vm0, $0xb8;
	[tilespmem:$0x1E800] =	vst v63  }
0x278: {  	s9 =	simm.s32 $0xE800  }
0x279: {  	[tilespmem:s9], [sflag:$0x1] =	stream.indirect_vreg.gather [hbm4b:s5+s3], $0x80, v3, vm0, $0xb8;
	[tilespmem:$0x1E800] =	vst v63  }
0x27a: {  	s17 =	simm.s32 $0xF000  }
0x27b: {  	[tilespmem:s17], [sflag:$0x1] =	stream.indirect_vreg.gather [hbm4b:s6+s3], $0x80, v3, vm0, $0xb8;
	[tilespmem:$0x1E800] =	vst v63  }
0x27c: {  	_ =	swait.ge [sflag:s26], $0xF000  }
0x27d: {  	[sflag:s26] =	ssyncset.done $0x0  }
0x27e: {  	s8 =	simm.s32 $0x4;
	s31 =	rddreg [dreg:$0x9];
	[sflag:s26] =	ssyncadd.s32 $0xFFFF1000  }
0x27f: {  	[hbm4b:s31+s3] =	stream.linear.scatter [tilespmem:s10], [sflag:$0x3], $0xF000, $0x38;
	[tilespmem:$0x1E800] =	vst v63  }
0x280: {  	_ =	swait.ge [sflag:s8], $0xF000  }
0x281: {  	[sflag:s8] =	ssyncset.done $0x0  }
0x282: {  	[sflag:s8] =	ssyncadd.s32 $0xFFFF1000  }
0x283: {  	v3 =	vld [tilespmem:$0x280];
	_ =	sdelay $0x4  }
0x284: {  	v44 =	vshrl.u32 v3, $0x3  }
0x285: {  	v4 =	vmul.u32 $0x30, v44  }
0x286: {  	v3 =	vand.u32 $0x7, v3  }
0x287: {  	v3 =	vor.u32 v3, v4  }
0x288: {  	v4 =	vperm.xlane v3, v0;
	_ =	sdelay $0x1  }
0x289: {  	v4 =	vadd.s32 v1, v4;
	_ =	sdelay $0x3  }
0x28a: {  	s0 =	simm.s32 $0xF800;
	v3 =	vperm.xlane v3, v2  }
0x28b: {  	[tilespmem:s0], [sflag:$0x2] =	stream.indirect_vreg.gather [hbm4b:s1+s3], $0x80, v4, vm0, $0xb8;
	[tilespmem:$0x1E800] =	vst v63  }
0x28c: {  	v3 =	vadd.s32 v1, v3  }
0x28d: {  	[tilespmem:s28], [sflag:$0x2] =	stream.indirect_vreg.gather [hbm4b:s5+s3], $0x80, v4, vm0, $0xb8;
	[tilespmem:$0x1E800] =	vst v63  }
0x28e: {  	_ = 	snop  }
0x28f: {  	[tilespmem:s16], [sflag:$0x2] =	stream.indirect_vreg.gather [hbm4b:s6+s3], $0x80, v4, vm0, $0xb8;
	[tilespmem:$0x1E800] =	vst v63  }
0x290: {  	s8 =	simm.s32 $0x11000  }
0x291: {  	[tilespmem:s8], [sflag:$0x2] =	stream.indirect_vreg.gather [hbm4b:s1+s3], $0x80, v3, vm0, $0xb8;
	[tilespmem:$0x1E800] =	vst v63  }
0x292: {  	s18 =	simm.s32 $0x11800  }
0x293: {  	[tilespmem:s18], [sflag:$0x2] =	stream.indirect_vreg.gather [hbm4b:s5+s3], $0x80, v3, vm0, $0xb8;
	[tilespmem:$0x1E800] =	vst v63  }
0x294: {  	s19 =	simm.s32 $0x12000  }
0x295: {  	[tilespmem:s19], [sflag:$0x2] =	stream.indirect_vreg.gather [hbm4b:s6+s3], $0x80, v3, vm0, $0xb8;
	[tilespmem:$0x1E800] =	vst v63  }
0x296: {  	v3 =	vld [tilespmem:$0x290];
	_ =	sdelay $0x4  }
0x297: {  	v45 =	vshrl.u32 v3, $0x3  }
0x298: {  	v4 =	vmul.u32 $0x30, v45  }
0x299: {  	v3 =	vand.u32 $0x7, v3  }
0x29a: {  	v3 =	vor.u32 v3, v4  }
0x29b: {  	v4 =	vperm.xlane v3, v0;
	_ =	sdelay $0x1  }
0x29c: {  	v4 =	vadd.s32 v1, v4;
	_ =	sdelay $0x3  }
0x29d: {  	s25 =	simm.s32 $0x12800;
	v3 =	vperm.xlane v3, v2  }
0x29e: {  	[tilespmem:s25], [sflag:$0x2] =	stream.indirect_vreg.gather [hbm4b:s1+s3], $0x80, v4, vm0, $0xb8;
	[tilespmem:$0x1E800] =	vst v63  }
0x29f: {  	s4 =	simm.s32 $0x13000;
	v3 =	vadd.s32 v1, v3  }
0x2a0: {  	[tilespmem:s4], [sflag:$0x2] =	stream.indirect_vreg.gather [hbm4b:s5+s3], $0x80, v4, vm0, $0xb8;
	[tilespmem:$0x1E800] =	vst v63  }
0x2a1: {  	s7 =	simm.s32 $0x13800  }
0x2a2: {  	[tilespmem:s7], [sflag:$0x2] =	stream.indirect_vreg.gather [hbm4b:s6+s3], $0x80, v4, vm0, $0xb8;
	[tilespmem:$0x1E800] =	vst v63  }
0x2a3: {  	s9 =	simm.s32 $0x14000  }
0x2a4: {  	[tilespmem:s9], [sflag:$0x2] =	stream.indirect_vreg.gather [hbm4b:s1+s3], $0x80, v3, vm0, $0xb8;
	[tilespmem:$0x1E800] =	vst v63  }
0x2a5: {  	_ = 	snop  }
0x2a6: {  	[tilespmem:s11], [sflag:$0x2] =	stream.indirect_vreg.gather [hbm4b:s5+s3], $0x80, v3, vm0, $0xb8;
	[tilespmem:$0x1E800] =	vst v63  }
0x2a7: {  	s17 =	simm.s32 $0x15000  }
0x2a8: {  	[tilespmem:s17], [sflag:$0x2] =	stream.indirect_vreg.gather [hbm4b:s6+s3], $0x80, v3, vm0, $0xb8;
	[tilespmem:$0x1E800] =	vst v63  }
0x2a9: {  	v3 =	vld [tilespmem:$0x2A0];
	_ =	sdelay $0x4  }
0x2aa: {  	v46 =	vshrl.u32 v3, $0x3  }
0x2ab: {  	v4 =	vmul.u32 $0x30, v46  }
0x2ac: {  	v3 =	vand.u32 $0x7, v3  }
0x2ad: {  	v3 =	vor.u32 v3, v4  }
0x2ae: {  	v4 =	vperm.xlane v3, v0;
	_ =	sdelay $0x1  }
0x2af: {  	v4 =	vadd.s32 v1, v4;
	_ =	sdelay $0x3  }
0x2b0: {  	s18 =	simm.s32 $0x15800;
	v3 =	vperm.xlane v3, v2  }
0x2b1: {  	[tilespmem:s18], [sflag:$0x2] =	stream.indirect_vreg.gather [hbm4b:s1+s3], $0x80, v4, vm0, $0xb8;
	[tilespmem:$0x1E800] =	vst v63  }
0x2b2: {  	v3 =	vadd.s32 v1, v3  }
0x2b3: {  	[tilespmem:s12], [sflag:$0x2] =	stream.indirect_vreg.gather [hbm4b:s5+s3], $0x80, v4, vm0, $0xb8;
	[tilespmem:$0x1E800] =	vst v63  }
0x2b4: {  	_ = 	snop  }
0x2b5: {  	[tilespmem:s13], [sflag:$0x2] =	stream.indirect_vreg.gather [hbm4b:s6+s3], $0x80, v4, vm0, $0xb8;
	[tilespmem:$0x1E800] =	vst v63  }
0x2b6: {  	_ = 	snop  }
0x2b7: {  	[tilespmem:s14], [sflag:$0x2] =	stream.indirect_vreg.gather [hbm4b:s1+s3], $0x80, v3, vm0, $0xb8;
	[tilespmem:$0x1E800] =	vst v63  }
0x2b8: {  	_ = 	snop  }
0x2b9: {  	[tilespmem:s15], [sflag:$0x2] =	stream.indirect_vreg.gather [hbm4b:s5+s3], $0x80, v3, vm0, $0xb8;
	[tilespmem:$0x1E800] =	vst v63  }
0x2ba: {  	s4 =	simm.s32 $0x18000  }
0x2bb: {  	[tilespmem:s4], [sflag:$0x2] =	stream.indirect_vreg.gather [hbm4b:s6+s3], $0x80, v3, vm0, $0xb8;
	[tilespmem:$0x1E800] =	vst v63  }
0x2bc: {  	v3 =	vld [tilespmem:$0x2B0];
	_ =	sdelay $0x4  }
0x2bd: {  	v47 =	vshrl.u32 v3, $0x3  }
0x2be: {  	v4 =	vmul.u32 $0x30, v47  }
0x2bf: {  	v3 =	vand.u32 $0x7, v3  }
0x2c0: {  	v3 =	vor.u32 v3, v4  }
0x2c1: {  	v4 =	vperm.xlane v3, v0;
	_ =	sdelay $0x1  }
0x2c2: {  	v4 =	vadd.s32 v1, v4;
	_ =	sdelay $0x3  }
0x2c3: {  	s7 =	simm.s32 $0x18800;
	v3 =	vperm.xlane v3, v2  }
0x2c4: {  	[tilespmem:s7], [sflag:$0x2] =	stream.indirect_vreg.gather [hbm4b:s1+s3], $0x80, v4, vm0, $0xb8;
	[tilespmem:$0x1E800] =	vst v63  }
0x2c5: {  	v3 =	vadd.s32 v1, v3  }
0x2c6: {  	[tilespmem:s20], [sflag:$0x2] =	stream.indirect_vreg.gather [hbm4b:s5+s3], $0x80, v4, vm0, $0xb8;
	[tilespmem:$0x1E800] =	vst v63  }
0x2c7: {  	_ = 	snop  }
0x2c8: {  	[tilespmem:s21], [sflag:$0x2] =	stream.indirect_vreg.gather [hbm4b:s6+s3], $0x80, v4, vm0, $0xb8;
	[tilespmem:$0x1E800] =	vst v63  }
0x2c9: {  	_ = 	snop  }
0x2ca: {  	[tilespmem:s22], [sflag:$0x2] =	stream.indirect_vreg.gather [hbm4b:s1+s3], $0x80, v3, vm0, $0xb8;
	[tilespmem:$0x1E800] =	vst v63  }
0x2cb: {  	_ = 	snop  }
0x2cc: {  	[tilespmem:s23], [sflag:$0x2] =	stream.indirect_vreg.gather [hbm4b:s5+s3], $0x80, v3, vm0, $0xb8;
	[tilespmem:$0x1E800] =	vst v63  }
0x2cd: {  	s9 =	simm.s32 $0x1B000  }
0x2ce: {  	[tilespmem:s9], [sflag:$0x2] =	stream.indirect_vreg.gather [hbm4b:s6+s3], $0x80, v3, vm0, $0xb8;
	[tilespmem:$0x1E800] =	vst v63  }
0x2cf: {  	v3 =	vld [tilespmem:$0x2C0];
	_ =	sdelay $0x4  }
0x2d0: {  	v48 =	vshrl.u32 v3, $0x3  }
0x2d1: {  	v4 =	vmul.u32 $0x30, v48  }
0x2d2: {  	v3 =	vand.u32 $0x7, v3  }
0x2d3: {  	v3 =	vor.u32 v3, v4  }
0x2d4: {  	v4 =	vperm.xlane v3, v0;
	_ =	sdelay $0x1  }
0x2d5: {  	v4 =	vadd.s32 v1, v4;
	_ =	sdelay $0x3  }
0x2d6: {  	s17 =	simm.s32 $0x1B800;
	v3 =	vperm.xlane v3, v2  }
0x2d7: {  	[tilespmem:s17], [sflag:$0x2] =	stream.indirect_vreg.gather [hbm4b:s1+s3], $0x80, v4, vm0, $0xb8;
	[tilespmem:$0x1E800] =	vst v63  }
0x2d8: {  	v3 =	vadd.s32 v1, v3  }
0x2d9: {  	[tilespmem:s24], [sflag:$0x2] =	stream.indirect_vreg.gather [hbm4b:s5+s3], $0x80, v4, vm0, $0xb8;
	[tilespmem:$0x1E800] =	vst v63  }
0x2da: {  	s18 =	simm.s32 $0x1C800  }
0x2db: {  	[tilespmem:s18], [sflag:$0x2] =	stream.indirect_vreg.gather [hbm4b:s6+s3], $0x80, v4, vm0, $0xb8;
	[tilespmem:$0x1E800] =	vst v63  }
0x2dc: {  	s4 =	simm.s32 $0x1D000  }
0x2dd: {  	[tilespmem:s4], [sflag:$0x2] =	stream.indirect_vreg.gather [hbm4b:s1+s3], $0x80, v3, vm0, $0xb8;
	[tilespmem:$0x1E800] =	vst v63  }
0x2de: {  	s7 =	simm.s32 $0x1D800  }
0x2df: {  	[tilespmem:s7], [sflag:$0x2] =	stream.indirect_vreg.gather [hbm4b:s5+s3], $0x80, v3, vm0, $0xb8;
	[tilespmem:$0x1E800] =	vst v63  }
0x2e0: {  	s9 =	simm.s32 $0x1E000  }
0x2e1: {  	[tilespmem:s9], [sflag:$0x2] =	stream.indirect_vreg.gather [hbm4b:s6+s3], $0x80, v3, vm0, $0xb8;
	[tilespmem:$0x1E800] =	vst v63  }
0x2e2: {  	_ =	swait.ge [sflag:s30], $0xF000  }
0x2e3: {  	[sflag:s30] =	ssyncset.done $0x0  }
0x2e4: {  	s31 =	rddreg [dreg:$0xa];
	[sflag:s30] =	ssyncadd.s32 $0xFFFF1000  }
0x2e5: {  	[hbm4b:s31+s3] =	stream.linear.scatter [tilespmem:s0], [sflag:$0x4], $0xF000, $0x38;
	[tilespmem:$0x1E800] =	vst v63  }
0x2e6: {  	_ =	swait.ge [sflag:s29], $0xF000  }
0x2e7: {  	[sflag:s29] =	ssyncset.done $0x0  }
0x2e8: {  	[sflag:s29] =	ssyncadd.s32 $0xFFFF1000  }
0x2e9: {  	v3 =	vld [tilespmem:$0x300];
	_ =	sdelay $0x4  }
0x2ea: {  	v49 =	vshrl.u32 v3, $0x3  }
0x2eb: {  	v4 =	vmul.u32 $0x30, v49  }
0x2ec: {  	v3 =	vand.u32 $0x7, v3  }
0x2ed: {  	v3 =	vor.u32 v3, v4  }
0x2ee: {  	v4 =	vperm.xlane v3, v0;
	_ =	sdelay $0x1  }
0x2ef: {  	v4 =	vadd.s32 v1, v4;
	_ =	sdelay $0x3  }
0x2f0: {  	v3 =	vperm.xlane v3, v2  }
0x2f1: {  	[tilespmem:s10], [sflag:$0x1] =	stream.indirect_vreg.gather [hbm4b:s1+s3], $0x80, v4, vm0, $0xb8;
	[tilespmem:$0x1E800] =	vst v63  }
0x2f2: {  	s17 =	simm.s32 $0x1000;
	v3 =	vadd.s32 v1, v3  }
0x2f3: {  	[tilespmem:s17], [sflag:$0x1] =	stream.indirect_vreg.gather [hbm4b:s5+s3], $0x80, v4, vm0, $0xb8;
	[tilespmem:$0x1E800] =	vst v63  }
0x2f4: {  	s2 =	simm.s32 $0x1800  }
0x2f5: {  	[tilespmem:s2], [sflag:$0x1] =	stream.indirect_vreg.gather [hbm4b:s6+s3], $0x80, v4, vm0, $0xb8;
	[tilespmem:$0x1E800] =	vst v63  }
0x2f6: {  	s2 =	simm.s32 $0x2000  }
0x2f7: {  	[tilespmem:s2], [sflag:$0x1] =	stream.indirect_vreg.gather [hbm4b:s1+s3], $0x80, v3, vm0, $0xb8;
	[tilespmem:$0x1E800] =	vst v63  }
0x2f8: {  	s2 =	simm.s32 $0x2800  }
0x2f9: {  	[tilespmem:s2], [sflag:$0x1] =	stream.indirect_vreg.gather [hbm4b:s5+s3], $0x80, v3, vm0, $0xb8;
	[tilespmem:$0x1E800] =	vst v63  }
0x2fa: {  	s2 =	simm.s32 $0x3000  }
0x2fb: {  	[tilespmem:s2], [sflag:$0x1] =	stream.indirect_vreg.gather [hbm4b:s6+s3], $0x80, v3, vm0, $0xb8;
	[tilespmem:$0x1E800] =	vst v63  }
0x2fc: {  	v3 =	vld [tilespmem:$0x310];
	_ =	sdelay $0x4  }
0x2fd: {  	v50 =	vshrl.u32 v3, $0x3  }
0x2fe: {  	v4 =	vmul.u32 $0x30, v50  }
0x2ff: {  	v3 =	vand.u32 $0x7, v3  }
0x300: {  	v3 =	vor.u32 v3, v4  }
0x301: {  	v4 =	vperm.xlane v3, v0;
	_ =	sdelay $0x1  }
0x302: {  	v4 =	vadd.s32 v1, v4;
	_ =	sdelay $0x3  }
0x303: {  	s2 =	simm.s32 $0x3800;
	v3 =	vperm.xlane v3, v2  }
0x304: {  	[tilespmem:s2], [sflag:$0x1] =	stream.indirect_vreg.gather [hbm4b:s1+s3], $0x80, v4, vm0, $0xb8;
	[tilespmem:$0x1E800] =	vst v63  }
0x305: {  	v3 =	vadd.s32 v1, v3;
	s2 =	simm.s32 $0x4000  }
0x306: {  	[tilespmem:s2], [sflag:$0x1] =	stream.indirect_vreg.gather [hbm4b:s5+s3], $0x80, v4, vm0, $0xb8;
	[tilespmem:$0x1E800] =	vst v63  }
0x307: {  	s2 =	simm.s32 $0x4800  }
0x308: {  	[tilespmem:s2], [sflag:$0x1] =	stream.indirect_vreg.gather [hbm4b:s6+s3], $0x80, v4, vm0, $0xb8;
	[tilespmem:$0x1E800] =	vst v63  }
0x309: {  	s2 =	simm.s32 $0x5000  }
0x30a: {  	[tilespmem:s2], [sflag:$0x1] =	stream.indirect_vreg.gather [hbm4b:s1+s3], $0x80, v3, vm0, $0xb8;
	[tilespmem:$0x1E800] =	vst v63  }
0x30b: {  	s2 =	simm.s32 $0x5800  }
0x30c: {  	[tilespmem:s2], [sflag:$0x1] =	stream.indirect_vreg.gather [hbm4b:s5+s3], $0x80, v3, vm0, $0xb8;
	[tilespmem:$0x1E800] =	vst v63  }
0x30d: {  	s2 =	simm.s32 $0x6000  }
0x30e: {  	[tilespmem:s2], [sflag:$0x1] =	stream.indirect_vreg.gather [hbm4b:s6+s3], $0x80, v3, vm0, $0xb8;
	[tilespmem:$0x1E800] =	vst v63  }
0x30f: {  	v3 =	vld [tilespmem:$0x320];
	_ =	sdelay $0x4  }
0x310: {  	v51 =	vshrl.u32 v3, $0x3  }
0x311: {  	v4 =	vmul.u32 $0x30, v51  }
0x312: {  	v3 =	vand.u32 $0x7, v3  }
0x313: {  	v3 =	vor.u32 v3, v4  }
0x314: {  	v4 =	vperm.xlane v3, v0;
	_ =	sdelay $0x1  }
0x315: {  	v4 =	vadd.s32 v1, v4;
	_ =	sdelay $0x3  }
0x316: {  	s2 =	simm.s32 $0x6800;
	v3 =	vperm.xlane v3, v2  }
0x317: {  	[tilespmem:s2], [sflag:$0x1] =	stream.indirect_vreg.gather [hbm4b:s1+s3], $0x80, v4, vm0, $0xb8;
	[tilespmem:$0x1E800] =	vst v63  }
0x318: {  	v3 =	vadd.s32 v1, v3;
	s2 =	simm.s32 $0x7000  }
0x319: {  	[tilespmem:s2], [sflag:$0x1] =	stream.indirect_vreg.gather [hbm4b:s5+s3], $0x80, v4, vm0, $0xb8;
	[tilespmem:$0x1E800] =	vst v63  }
0x31a: {  	s2 =	simm.s32 $0x7800  }
0x31b: {  	[tilespmem:s2], [sflag:$0x1] =	stream.indirect_vreg.gather [hbm4b:s6+s3], $0x80, v4, vm0, $0xb8;
	[tilespmem:$0x1E800] =	vst v63  }
0x31c: {  	s2 =	simm.s32 $0x8000  }
0x31d: {  	[tilespmem:s2], [sflag:$0x1] =	stream.indirect_vreg.gather [hbm4b:s1+s3], $0x80, v3, vm0, $0xb8;
	[tilespmem:$0x1E800] =	vst v63  }
0x31e: {  	s2 =	simm.s32 $0x8800  }
0x31f: {  	[tilespmem:s2], [sflag:$0x1] =	stream.indirect_vreg.gather [hbm4b:s5+s3], $0x80, v3, vm0, $0xb8;
	[tilespmem:$0x1E800] =	vst v63  }
0x320: {  	s2 =	simm.s32 $0x9000  }
0x321: {  	[tilespmem:s2], [sflag:$0x1] =	stream.indirect_vreg.gather [hbm4b:s6+s3], $0x80, v3, vm0, $0xb8;
	[tilespmem:$0x1E800] =	vst v63  }
0x322: {  	v3 =	vld [tilespmem:$0x330];
	_ =	sdelay $0x4  }
0x323: {  	v52 =	vshrl.u32 v3, $0x3  }
0x324: {  	v4 =	vmul.u32 $0x30, v52  }
0x325: {  	v3 =	vand.u32 $0x7, v3  }
0x326: {  	v3 =	vor.u32 v3, v4  }
0x327: {  	v4 =	vperm.xlane v3, v0;
	_ =	sdelay $0x1  }
0x328: {  	v4 =	vadd.s32 v1, v4;
	_ =	sdelay $0x3  }
0x329: {  	s2 =	simm.s32 $0x9800;
	v3 =	vperm.xlane v3, v2  }
0x32a: {  	[tilespmem:s2], [sflag:$0x1] =	stream.indirect_vreg.gather [hbm4b:s1+s3], $0x80, v4, vm0, $0xb8;
	[tilespmem:$0x1E800] =	vst v63  }
0x32b: {  	v3 =	vadd.s32 v1, v3;
	s2 =	simm.s32 $0xA000  }
0x32c: {  	[tilespmem:s2], [sflag:$0x1] =	stream.indirect_vreg.gather [hbm4b:s5+s3], $0x80, v4, vm0, $0xb8;
	[tilespmem:$0x1E800] =	vst v63  }
0x32d: {  	s31 =	simm.s32 $0xA800  }
0x32e: {  	[tilespmem:s31], [sflag:$0x1] =	stream.indirect_vreg.gather [hbm4b:s6+s3], $0x80, v4, vm0, $0xb8;
	[tilespmem:$0x1E800] =	vst v63  }
0x32f: {  	s31 =	simm.s32 $0xB000  }
0x330: {  	[tilespmem:s31], [sflag:$0x1] =	stream.indirect_vreg.gather [hbm4b:s1+s3], $0x80, v3, vm0, $0xb8;
	[tilespmem:$0x1E800] =	vst v63  }
0x331: {  	s31 =	simm.s32 $0xB800  }
0x332: {  	[tilespmem:s31], [sflag:$0x1] =	stream.indirect_vreg.gather [hbm4b:s5+s3], $0x80, v3, vm0, $0xb8;
	[tilespmem:$0x1E800] =	vst v63  }
0x333: {  	s31 =	simm.s32 $0xC000  }
0x334: {  	[tilespmem:s31], [sflag:$0x1] =	stream.indirect_vreg.gather [hbm4b:s6+s3], $0x80, v3, vm0, $0xb8;
	[tilespmem:$0x1E800] =	vst v63  }
0x335: {  	v3 =	vld [tilespmem:$0x340];
	_ =	sdelay $0x4  }
0x336: {  	v53 =	vshrl.u32 v3, $0x3  }
0x337: {  	v4 =	vmul.u32 $0x30, v53  }
0x338: {  	v3 =	vand.u32 $0x7, v3  }
0x339: {  	v3 =	vor.u32 v3, v4  }
0x33a: {  	v4 =	vperm.xlane v3, v0;
	_ =	sdelay $0x1  }
0x33b: {  	v4 =	vadd.s32 v1, v4;
	_ =	sdelay $0x3  }
0x33c: {  	s31 =	simm.s32 $0xC800;
	v3 =	vperm.xlane v3, v2  }
0x33d: {  	[tilespmem:s31], [sflag:$0x1] =	stream.indirect_vreg.gather [hbm4b:s1+s3], $0x80, v4, vm0, $0xb8;
	[tilespmem:$0x1E800] =	vst v63  }
0x33e: {  	v3 =	vadd.s32 v1, v3;
	s31 =	simm.s32 $0xD000  }
0x33f: {  	[tilespmem:s31], [sflag:$0x1] =	stream.indirect_vreg.gather [hbm4b:s5+s3], $0x80, v4, vm0, $0xb8;
	[tilespmem:$0x1E800] =	vst v63  }
0x340: {  	s31 =	simm.s32 $0xD800  }
0x341: {  	[tilespmem:s31], [sflag:$0x1] =	stream.indirect_vreg.gather [hbm4b:s6+s3], $0x80, v4, vm0, $0xb8;
	[tilespmem:$0x1E800] =	vst v63  }
0x342: {  	s31 =	simm.s32 $0xE000  }
0x343: {  	[tilespmem:s31], [sflag:$0x1] =	stream.indirect_vreg.gather [hbm4b:s1+s3], $0x80, v3, vm0, $0xb8;
	[tilespmem:$0x1E800] =	vst v63  }
0x344: {  	s31 =	simm.s32 $0xE800  }
0x345: {  	[tilespmem:s31], [sflag:$0x1] =	stream.indirect_vreg.gather [hbm4b:s5+s3], $0x80, v3, vm0, $0xb8;
	[tilespmem:$0x1E800] =	vst v63  }
0x346: {  	s31 =	simm.s32 $0xF000  }
0x347: {  	[tilespmem:s31], [sflag:$0x1] =	stream.indirect_vreg.gather [hbm4b:s6+s3], $0x80, v3, vm0, $0xb8;
	[tilespmem:$0x1E800] =	vst v63  }
0x348: {  	_ =	swait.ge [sflag:s26], $0xF000  }
0x349: {  	[sflag:s26] =	ssyncset.done $0x0  }
0x34a: {  	s16 =	simm.s32 $0x4;
	s31 =	rddreg [dreg:$0xb];
	[sflag:s26] =	ssyncadd.s32 $0xFFFF1000  }
0x34b: {  	[hbm4b:s31+s3] =	stream.linear.scatter [tilespmem:s10], [sflag:$0x3], $0xF000, $0x38;
	[tilespmem:$0x1E800] =	vst v63  }
0x34c: {  	_ =	swait.ge [sflag:s16], $0xF000  }
0x34d: {  	[sflag:s16] =	ssyncset.done $0x0  }
0x34e: {  	[sflag:s16] =	ssyncadd.s32 $0xFFFF1000  }
0x34f: {  	v3 =	vld [tilespmem:$0x380];
	_ =	sdelay $0x4  }
0x350: {  	v54 =	vshrl.u32 v3, $0x3  }
0x351: {  	v4 =	vmul.u32 $0x30, v54  }
0x352: {  	v3 =	vand.u32 $0x7, v3  }
0x353: {  	v3 =	vor.u32 v3, v4  }
0x354: {  	v4 =	vperm.xlane v3, v0;
	_ =	sdelay $0x1  }
0x355: {  	v4 =	vadd.s32 v1, v4;
	_ =	sdelay $0x3  }
0x356: {  	s0 =	simm.s32 $0xF800;
	v3 =	vperm.xlane v3, v2  }
0x357: {  	[tilespmem:s0], [sflag:$0x2] =	stream.indirect_vreg.gather [hbm4b:s1+s3], $0x80, v4, vm0, $0xb8;
	[tilespmem:$0x1E800] =	vst v63  }
0x358: {  	s28 =	simm.s32 $0x10000;
	v3 =	vadd.s32 v1, v3  }
0x359: {  	[tilespmem:s28], [sflag:$0x2] =	stream.indirect_vreg.gather [hbm4b:s5+s3], $0x80, v4, vm0, $0xb8;
	[tilespmem:$0x1E800] =	vst v63  }
0x35a: {  	s28 =	simm.s32 $0x10800  }
0x35b: {  	[tilespmem:s28], [sflag:$0x2] =	stream.indirect_vreg.gather [hbm4b:s6+s3], $0x80, v4, vm0, $0xb8;
	[tilespmem:$0x1E800] =	vst v63  }
0x35c: {  	_ = 	snop  }
0x35d: {  	[tilespmem:s8], [sflag:$0x2] =	stream.indirect_vreg.gather [hbm4b:s1+s3], $0x80, v3, vm0, $0xb8;
	[tilespmem:$0x1E800] =	vst v63  }
0x35e: {  	s8 =	simm.s32 $0x11800  }
0x35f: {  	[tilespmem:s8], [sflag:$0x2] =	stream.indirect_vreg.gather [hbm4b:s5+s3], $0x80, v3, vm0, $0xb8;
	[tilespmem:$0x1E800] =	vst v63  }
0x360: {  	s8 =	simm.s32 $0x12000  }
0x361: {  	[tilespmem:s8], [sflag:$0x2] =	stream.indirect_vreg.gather [hbm4b:s6+s3], $0x80, v3, vm0, $0xb8;
	[tilespmem:$0x1E800] =	vst v63  }
0x362: {  	v3 =	vld [tilespmem:$0x390];
	_ =	sdelay $0x4  }
0x363: {  	v55 =	vshrl.u32 v3, $0x3  }
0x364: {  	v4 =	vmul.u32 $0x30, v55  }
0x365: {  	v3 =	vand.u32 $0x7, v3  }
0x366: {  	v3 =	vor.u32 v3, v4  }
0x367: {  	v4 =	vperm.xlane v3, v0;
	_ =	sdelay $0x1  }
0x368: {  	v4 =	vadd.s32 v1, v4;
	_ =	sdelay $0x3  }
0x369: {  	s8 =	simm.s32 $0x12800;
	v3 =	vperm.xlane v3, v2  }
0x36a: {  	[tilespmem:s8], [sflag:$0x2] =	stream.indirect_vreg.gather [hbm4b:s1+s3], $0x80, v4, vm0, $0xb8;
	[tilespmem:$0x1E800] =	vst v63  }
0x36b: {  	v3 =	vadd.s32 v1, v3;
	s8 =	simm.s32 $0x13000  }
0x36c: {  	[tilespmem:s8], [sflag:$0x2] =	stream.indirect_vreg.gather [hbm4b:s5+s3], $0x80, v4, vm0, $0xb8;
	[tilespmem:$0x1E800] =	vst v63  }
0x36d: {  	s25 =	simm.s32 $0x13800  }
0x36e: {  	[tilespmem:s25], [sflag:$0x2] =	stream.indirect_vreg.gather [hbm4b:s6+s3], $0x80, v4, vm0, $0xb8;
	[tilespmem:$0x1E800] =	vst v63  }
0x36f: {  	s19 =	simm.s32 $0x14000  }
0x370: {  	[tilespmem:s19], [sflag:$0x2] =	stream.indirect_vreg.gather [hbm4b:s1+s3], $0x80, v3, vm0, $0xb8;
	[tilespmem:$0x1E800] =	vst v63  }
0x371: {  	s11 =	simm.s32 $0x14800  }
0x372: {  	[tilespmem:s11], [sflag:$0x2] =	stream.indirect_vreg.gather [hbm4b:s5+s3], $0x80, v3, vm0, $0xb8;
	[tilespmem:$0x1E800] =	vst v63  }
0x373: {  	s25 =	simm.s32 $0x15000  }
0x374: {  	[tilespmem:s25], [sflag:$0x2] =	stream.indirect_vreg.gather [hbm4b:s6+s3], $0x80, v3, vm0, $0xb8;
	[tilespmem:$0x1E800] =	vst v63  }
0x375: {  	v3 =	vld [tilespmem:$0x3A0];
	_ =	sdelay $0x4  }
0x376: {  	v56 =	vshrl.u32 v3, $0x3  }
0x377: {  	v4 =	vmul.u32 $0x30, v56  }
0x378: {  	v3 =	vand.u32 $0x7, v3  }
0x379: {  	v3 =	vor.u32 v3, v4  }
0x37a: {  	v4 =	vperm.xlane v3, v0;
	_ =	sdelay $0x1  }
0x37b: {  	v4 =	vadd.s32 v1, v4;
	_ =	sdelay $0x3  }
0x37c: {  	s11 =	simm.s32 $0x15800;
	v3 =	vperm.xlane v3, v2  }
0x37d: {  	[tilespmem:s11], [sflag:$0x2] =	stream.indirect_vreg.gather [hbm4b:s1+s3], $0x80, v4, vm0, $0xb8;
	[tilespmem:$0x1E800] =	vst v63  }
0x37e: {  	s12 =	simm.s32 $0x16000;
	v3 =	vadd.s32 v1, v3  }
0x37f: {  	[tilespmem:s12], [sflag:$0x2] =	stream.indirect_vreg.gather [hbm4b:s5+s3], $0x80, v4, vm0, $0xb8;
	[tilespmem:$0x1E800] =	vst v63  }
0x380: {  	s13 =	simm.s32 $0x16800  }
0x381: {  	[tilespmem:s13], [sflag:$0x2] =	stream.indirect_vreg.gather [hbm4b:s6+s3], $0x80, v4, vm0, $0xb8;
	[tilespmem:$0x1E800] =	vst v63  }
0x382: {  	s14 =	simm.s32 $0x17000  }
0x383: {  	[tilespmem:s14], [sflag:$0x2] =	stream.indirect_vreg.gather [hbm4b:s1+s3], $0x80, v3, vm0, $0xb8;
	[tilespmem:$0x1E800] =	vst v63  }
0x384: {  	s15 =	simm.s32 $0x17800  }
0x385: {  	[tilespmem:s15], [sflag:$0x2] =	stream.indirect_vreg.gather [hbm4b:s5+s3], $0x80, v3, vm0, $0xb8;
	[tilespmem:$0x1E800] =	vst v63  }
0x386: {  	s15 =	simm.s32 $0x18000  }
0x387: {  	[tilespmem:s15], [sflag:$0x2] =	stream.indirect_vreg.gather [hbm4b:s6+s3], $0x80, v3, vm0, $0xb8;
	[tilespmem:$0x1E800] =	vst v63  }
0x388: {  	v3 =	vld [tilespmem:$0x3B0];
	_ =	sdelay $0x4  }
0x389: {  	v57 =	vshrl.u32 v3, $0x3  }
0x38a: {  	v4 =	vmul.u32 $0x30, v57  }
0x38b: {  	v3 =	vand.u32 $0x7, v3  }
0x38c: {  	v3 =	vor.u32 v3, v4  }
0x38d: {  	v4 =	vperm.xlane v3, v0;
	_ =	sdelay $0x1  }
0x38e: {  	v4 =	vadd.s32 v1, v4;
	_ =	sdelay $0x3  }
0x38f: {  	s19 =	simm.s32 $0x18800;
	v3 =	vperm.xlane v3, v2  }
0x390: {  	[tilespmem:s19], [sflag:$0x2] =	stream.indirect_vreg.gather [hbm4b:s1+s3], $0x80, v4, vm0, $0xb8;
	[tilespmem:$0x1E800] =	vst v63  }
0x391: {  	s20 =	simm.s32 $0x19000;
	v3 =	vadd.s32 v1, v3  }
0x392: {  	[tilespmem:s20], [sflag:$0x2] =	stream.indirect_vreg.gather [hbm4b:s5+s3], $0x80, v4, vm0, $0xb8;
	[tilespmem:$0x1E800] =	vst v63  }
0x393: {  	s21 =	simm.s32 $0x19800  }
0x394: {  	[tilespmem:s21], [sflag:$0x2] =	stream.indirect_vreg.gather [hbm4b:s6+s3], $0x80, v4, vm0, $0xb8;
	[tilespmem:$0x1E800] =	vst v63  }
0x395: {  	s22 =	simm.s32 $0x1A000  }
0x396: {  	[tilespmem:s22], [sflag:$0x2] =	stream.indirect_vreg.gather [hbm4b:s1+s3], $0x80, v3, vm0, $0xb8;
	[tilespmem:$0x1E800] =	vst v63  }
0x397: {  	s23 =	simm.s32 $0x1A800  }
0x398: {  	[tilespmem:s23], [sflag:$0x2] =	stream.indirect_vreg.gather [hbm4b:s5+s3], $0x80, v3, vm0, $0xb8;
	[tilespmem:$0x1E800] =	vst v63  }
0x399: {  	s23 =	simm.s32 $0x1B000  }
0x39a: {  	[tilespmem:s23], [sflag:$0x2] =	stream.indirect_vreg.gather [hbm4b:s6+s3], $0x80, v3, vm0, $0xb8;
	[tilespmem:$0x1E800] =	vst v63  }
0x39b: {  	v3 =	vld [tilespmem:$0x3C0];
	_ =	sdelay $0x4  }
0x39c: {  	v58 =	vshrl.u32 v3, $0x3  }
0x39d: {  	v4 =	vmul.u32 $0x30, v58  }
0x39e: {  	v3 =	vand.u32 $0x7, v3  }
0x39f: {  	v3 =	vor.u32 v3, v4  }
0x3a0: {  	v4 =	vperm.xlane v3, v0;
	_ =	sdelay $0x1  }
0x3a1: {  	v4 =	vadd.s32 v1, v4;
	_ =	sdelay $0x3  }
0x3a2: {  	s25 =	simm.s32 $0x1B800;
	v3 =	vperm.xlane v3, v2  }
0x3a3: {  	[tilespmem:s25], [sflag:$0x2] =	stream.indirect_vreg.gather [hbm4b:s1+s3], $0x80, v4, vm0, $0xb8;
	[tilespmem:$0x1E800] =	vst v63  }
0x3a4: {  	s24 =	simm.s32 $0x1C000;
	v3 =	vadd.s32 v1, v3  }
0x3a5: {  	[tilespmem:s24], [sflag:$0x2] =	stream.indirect_vreg.gather [hbm4b:s5+s3], $0x80, v4, vm0, $0xb8;
	[tilespmem:$0x1E800] =	vst v63  }
0x3a6: {  	s18 =	simm.s32 $0x1C800  }
0x3a7: {  	[tilespmem:s18], [sflag:$0x2] =	stream.indirect_vreg.gather [hbm4b:s6+s3], $0x80, v4, vm0, $0xb8;
	[tilespmem:$0x1E800] =	vst v63  }
0x3a8: {  	_ = 	snop  }
0x3a9: {  	[tilespmem:s4], [sflag:$0x2] =	stream.indirect_vreg.gather [hbm4b:s1+s3], $0x80, v3, vm0, $0xb8;
	[tilespmem:$0x1E800] =	vst v63  }
0x3aa: {  	_ = 	snop  }
0x3ab: {  	[tilespmem:s7], [sflag:$0x2] =	stream.indirect_vreg.gather [hbm4b:s5+s3], $0x80, v3, vm0, $0xb8;
	[tilespmem:$0x1E800] =	vst v63  }
0x3ac: {  	_ = 	snop  }
0x3ad: {  	[tilespmem:s9], [sflag:$0x2] =	stream.indirect_vreg.gather [hbm4b:s6+s3], $0x80, v3, vm0, $0xb8;
	[tilespmem:$0x1E800] =	vst v63  }
0x3ae: {  	_ =	swait.ge [sflag:s30], $0xF000  }
0x3af: {  	[sflag:s30] =	ssyncset.done $0x0  }
0x3b0: {  	s31 =	rddreg [dreg:$0xc];
	[sflag:s30] =	ssyncadd.s32 $0xFFFF1000  }
0x3b1: {  	[hbm4b:s31+s3] =	stream.linear.scatter [tilespmem:s0], [sflag:$0x4], $0xF000, $0x38;
	[tilespmem:$0x1E800] =	vst v63  }
0x3b2: {  	_ =	swait.ge [sflag:s29], $0xF000  }
0x3b3: {  	[sflag:s29] =	ssyncset.done $0x0  }
0x3b4: {  	[sflag:s29] =	ssyncadd.s32 $0xFFFF1000  }
0x3b5: {  	v3 =	vld [tilespmem:$0x400];
	_ =	sdelay $0x4  }
0x3b6: {  	v59 =	vshrl.u32 v3, $0x3  }
0x3b7: {  	v4 =	vmul.u32 $0x30, v59  }
0x3b8: {  	v3 =	vand.u32 $0x7, v3  }
0x3b9: {  	v3 =	vor.u32 v3, v4  }
0x3ba: {  	v4 =	vperm.xlane v3, v0;
	_ =	sdelay $0x1  }
0x3bb: {  	v4 =	vadd.s32 v1, v4;
	_ =	sdelay $0x3  }
0x3bc: {  	v3 =	vperm.xlane v3, v2  }
0x3bd: {  	[tilespmem:s10], [sflag:$0x1] =	stream.indirect_vreg.gather [hbm4b:s1+s3], $0x80, v4, vm0, $0xb8;
	[tilespmem:$0x1E800] =	vst v63  }
0x3be: {  	v3 =	vadd.s32 v1, v3  }
0x3bf: {  	[tilespmem:s17], [sflag:$0x1] =	stream.indirect_vreg.gather [hbm4b:s5+s3], $0x80, v4, vm0, $0xb8;
	[tilespmem:$0x1E800] =	vst v63  }
0x3c0: {  	s8 =	simm.s32 $0x1800  }
0x3c1: {  	[tilespmem:s8], [sflag:$0x1] =	stream.indirect_vreg.gather [hbm4b:s6+s3], $0x80, v4, vm0, $0xb8;
	[tilespmem:$0x1E800] =	vst v63  }
0x3c2: {  	s17 =	simm.s32 $0x2000  }
0x3c3: {  	[tilespmem:s17], [sflag:$0x1] =	stream.indirect_vreg.gather [hbm4b:s1+s3], $0x80, v3, vm0, $0xb8;
	[tilespmem:$0x1E800] =	vst v63  }
0x3c4: {  	s18 =	simm.s32 $0x2800  }
0x3c5: {  	[tilespmem:s18], [sflag:$0x1] =	stream.indirect_vreg.gather [hbm4b:s5+s3], $0x80, v3, vm0, $0xb8;
	[tilespmem:$0x1E800] =	vst v63  }
0x3c6: {  	s19 =	simm.s32 $0x3000  }
0x3c7: {  	[tilespmem:s19], [sflag:$0x1] =	stream.indirect_vreg.gather [hbm4b:s6+s3], $0x80, v3, vm0, $0xb8;
	[tilespmem:$0x1E800] =	vst v63  }
0x3c8: {  	v3 =	vld [tilespmem:$0x410];
	_ =	sdelay $0x4  }
0x3c9: {  	v60 =	vshrl.u32 v3, $0x3  }
0x3ca: {  	v4 =	vmul.u32 $0x30, v60  }
0x3cb: {  	v3 =	vand.u32 $0x7, v3  }
0x3cc: {  	v3 =	vor.u32 v3, v4  }
0x3cd: {  	v4 =	vperm.xlane v3, v0;
	_ =	sdelay $0x1  }
0x3ce: {  	v4 =	vadd.s32 v1, v4;
	_ =	sdelay $0x3  }
0x3cf: {  	s25 =	simm.s32 $0x3800;
	v3 =	vperm.xlane v3, v2  }
0x3d0: {  	[tilespmem:s25], [sflag:$0x1] =	stream.indirect_vreg.gather [hbm4b:s1+s3], $0x80, v4, vm0, $0xb8;
	[tilespmem:$0x1E800] =	vst v63  }
0x3d1: {  	s20 =	simm.s32 $0x4000;
	v3 =	vadd.s32 v1, v3  }
0x3d2: {  	[tilespmem:s20], [sflag:$0x1] =	stream.indirect_vreg.gather [hbm4b:s5+s3], $0x80, v4, vm0, $0xb8;
	[tilespmem:$0x1E800] =	vst v63  }
0x3d3: {  	s21 =	simm.s32 $0x4800  }
0x3d4: {  	[tilespmem:s21], [sflag:$0x1] =	stream.indirect_vreg.gather [hbm4b:s6+s3], $0x80, v4, vm0, $0xb8;
	[tilespmem:$0x1E800] =	vst v63  }
0x3d5: {  	s22 =	simm.s32 $0x5000  }
0x3d6: {  	[tilespmem:s22], [sflag:$0x1] =	stream.indirect_vreg.gather [hbm4b:s1+s3], $0x80, v3, vm0, $0xb8;
	[tilespmem:$0x1E800] =	vst v63  }
0x3d7: {  	s23 =	simm.s32 $0x5800  }
0x3d8: {  	[tilespmem:s23], [sflag:$0x1] =	stream.indirect_vreg.gather [hbm4b:s5+s3], $0x80, v3, vm0, $0xb8;
	[tilespmem:$0x1E800] =	vst v63  }
0x3d9: {  	s24 =	simm.s32 $0x6000  }
0x3da: {  	[tilespmem:s24], [sflag:$0x1] =	stream.indirect_vreg.gather [hbm4b:s6+s3], $0x80, v3, vm0, $0xb8;
	[tilespmem:$0x1E800] =	vst v63  }
0x3db: {  	v3 =	vld [tilespmem:$0x420];
	_ =	sdelay $0x4  }
0x3dc: {  	v61 =	vshrl.u32 v3, $0x3  }
0x3dd: {  	v4 =	vmul.u32 $0x30, v61  }
0x3de: {  	v3 =	vand.u32 $0x7, v3  }
0x3df: {  	v3 =	vor.u32 v3, v4  }
0x3e0: {  	v4 =	vperm.xlane v3, v0;
	_ =	sdelay $0x1  }
0x3e1: {  	v4 =	vadd.s32 v1, v4;
	_ =	sdelay $0x3  }
0x3e2: {  	s9 =	simm.s32 $0x6800;
	v3 =	vperm.xlane v3, v2  }
0x3e3: {  	[tilespmem:s9], [sflag:$0x1] =	stream.indirect_vreg.gather [hbm4b:s1+s3], $0x80, v4, vm0, $0xb8;
	[tilespmem:$0x1E800] =	vst v63  }
0x3e4: {  	s11 =	simm.s32 $0x7000;
	v3 =	vadd.s32 v1, v3  }
0x3e5: {  	[tilespmem:s11], [sflag:$0x1] =	stream.indirect_vreg.gather [hbm4b:s5+s3], $0x80, v4, vm0, $0xb8;
	[tilespmem:$0x1E800] =	vst v63  }
0x3e6: {  	s12 =	simm.s32 $0x7800  }
0x3e7: {  	[tilespmem:s12], [sflag:$0x1] =	stream.indirect_vreg.gather [hbm4b:s6+s3], $0x80, v4, vm0, $0xb8;
	[tilespmem:$0x1E800] =	vst v63  }
0x3e8: {  	s13 =	simm.s32 $0x8000  }
0x3e9: {  	[tilespmem:s13], [sflag:$0x1] =	stream.indirect_vreg.gather [hbm4b:s1+s3], $0x80, v3, vm0, $0xb8;
	[tilespmem:$0x1E800] =	vst v63  }
0x3ea: {  	s14 =	simm.s32 $0x8800  }
0x3eb: {  	[tilespmem:s14], [sflag:$0x1] =	stream.indirect_vreg.gather [hbm4b:s5+s3], $0x80, v3, vm0, $0xb8;
	[tilespmem:$0x1E800] =	vst v63  }
0x3ec: {  	s15 =	simm.s32 $0x9000  }
0x3ed: {  	[tilespmem:s15], [sflag:$0x1] =	stream.indirect_vreg.gather [hbm4b:s6+s3], $0x80, v3, vm0, $0xb8;
	[tilespmem:$0x1E800] =	vst v63  }
0x3ee: {  	v3 =	vld [tilespmem:$0x430];
	_ =	sdelay $0x4  }
0x3ef: {  	v62 =	vshrl.u32 v3, $0x3  }
0x3f0: {  	v4 =	vmul.u32 $0x30, v62  }
0x3f1: {  	v3 =	vand.u32 $0x7, v3  }
0x3f2: {  	v3 =	vor.u32 v3, v4  }
0x3f3: {  	v4 =	vperm.xlane v3, v0;
	_ =	sdelay $0x1  }
0x3f4: {  	v4 =	vadd.s32 v1, v4;
	_ =	sdelay $0x3  }
0x3f5: {  	s31 =	simm.s32 $0x9800;
	v3 =	vperm.xlane v3, v2  }
0x3f6: {  	[tilespmem:s31], [sflag:$0x1] =	stream.indirect_vreg.gather [hbm4b:s1+s3], $0x80, v4, vm0, $0xb8;
	[tilespmem:$0x1E800] =	vst v63  }
0x3f7: {  	v3 =	vadd.s32 v1, v3  }
0x3f8: {  	[tilespmem:s2], [sflag:$0x1] =	stream.indirect_vreg.gather [hbm4b:s5+s3], $0x80, v4, vm0, $0xb8;
	[tilespmem:$0x1E800] =	vst v63  }
0x3f9: {  	s30 =	simm.s32 $0xA800  }
0x3fa: {  	[tilespmem:s30], [sflag:$0x1] =	stream.indirect_vreg.gather [hbm4b:s6+s3], $0x80, v4, vm0, $0xb8;
	[tilespmem:$0x1E800] =	vst v63  }
0x3fb: {  	s0 =	simm.s32 $0xB000  }
0x3fc: {  	[tilespmem:s0], [sflag:$0x1] =	stream.indirect_vreg.gather [hbm4b:s1+s3], $0x80, v3, vm0, $0xb8;
	[tilespmem:$0x1E800] =	vst v63  }
0x3fd: {  	s4 =	simm.s32 $0xB800  }
0x3fe: {  	[tilespmem:s4], [sflag:$0x1] =	stream.indirect_vreg.gather [hbm4b:s5+s3], $0x80, v3, vm0, $0xb8;
	[tilespmem:$0x1E800] =	vst v63  }
0x3ff: {  	s7 =	simm.s32 $0xC000  }
0x400: {  	[tilespmem:s7], [sflag:$0x1] =	stream.indirect_vreg.gather [hbm4b:s6+s3], $0x80, v3, vm0, $0xb8;
	[tilespmem:$0x1E800] =	vst v63  }
0x401: {  	v3 =	vld [tilespmem:$0x440];
	_ =	sdelay $0x4  }
0x402: {  	v63 =	vshrl.u32 v3, $0x3  }
0x403: {  	v4 =	vmul.u32 $0x30, v63  }
0x404: {  	v3 =	vand.u32 $0x7, v3  }
0x405: {  	v3 =	vor.u32 v3, v4  }
0x406: {  	v4 =	vperm.xlane v3, v0;
	_ =	sdelay $0x1  }
0x407: {  	v4 =	vadd.s32 v1, v4;
	_ =	sdelay $0x3  }
0x408: {  	s8 =	simm.s32 $0xC800;
	v3 =	vperm.xlane v3, v2  }
0x409: {  	[tilespmem:s8], [sflag:$0x1] =	stream.indirect_vreg.gather [hbm4b:s1+s3], $0x80, v4, vm0, $0xb8;
	[tilespmem:$0x1E800] =	vst v63  }
0x40a: {  	s17 =	simm.s32 $0xD000;
	v3 =	vadd.s32 v1, v3  }
0x40b: {  	[tilespmem:s17], [sflag:$0x1] =	stream.indirect_vreg.gather [hbm4b:s5+s3], $0x80, v4, vm0, $0xb8;
	[tilespmem:$0x1E800] =	vst v63  }
0x40c: {  	s18 =	simm.s32 $0xD800  }
0x40d: {  	[tilespmem:s18], [sflag:$0x1] =	stream.indirect_vreg.gather [hbm4b:s6+s3], $0x80, v4, vm0, $0xb8;
	[tilespmem:$0x1E800] =	vst v63  }
0x40e: {  	s19 =	simm.s32 $0xE000  }
0x40f: {  	[tilespmem:s19], [sflag:$0x1] =	stream.indirect_vreg.gather [hbm4b:s1+s3], $0x80, v3, vm0, $0xb8;
	[tilespmem:$0x1E800] =	vst v63  }
0x410: {  	s25 =	simm.s32 $0xE800  }
0x411: {  	[tilespmem:s25], [sflag:$0x1] =	stream.indirect_vreg.gather [hbm4b:s5+s3], $0x80, v3, vm0, $0xb8;
	[tilespmem:$0x1E800] =	vst v63  }
.Ltmp2:
0x412: {  	s30 =	simm.s32 $0xF000;
	(pc) =	sbr.rel @p0 .LBB2_3-.Ltmp2, $4  }
0x413: {  	[tilespmem:s30], [sflag:$0x1] =	stream.indirect_vreg.gather [hbm4b:s6+s3], $0x80, v3, vm0, $0xb8;
	[tilespmem:$0x1E800] =	vst v63  }
0x414: {  	_ =	swait.ge [sflag:s26], $0xF000  }
0x415: {  	[sflag:s26] =	ssyncset.done $0x0  }
0x416: {  	s28 =	simm.s32 $0x3800;
	[sflag:s26] =	ssyncadd.s32 $0xFFFF1000  }
.Ltmp3:
0x417: {  	(pc) =	sbr.rel .LBB2_4-.Ltmp3, $4  }
0x418: {  	_ = 	snop  }
0x419: {  	s4 =	rddreg [dreg:$0xd]  }
0x41a: {  	s2 =	rddreg [dreg:$0xf]  }
0x41b: {  	[hbm4b:s4+s3] =	stream.linear.scatter [tilespmem:s10], [sflag:$0x3], $0xF000, $0x38;
	[tilespmem:$0x1E800] =	vst v63  }
.LBB2_5:
0x41c: {  	_ =	sfence.sel $0x180000  }
0x41d: {  	[bflag:$0x0] =	sbarrier.arrive $0xFFFF  }
0x41e: {  	_ =	strace $0x90000047  }
0x41f: {  	s0 =	stileid.u32;
	[bflag:$0x2] =	sbarrier.arrive $0xFFFF  }
0x420: {  	p0 =	sne.s32 s0, $0x0;
	s0 =	rddreg [dreg:$0x3]  }
0x421: {  	s0 =	sadd.s32 @!p0 $0x100000, s0  }
0x422: {  	[sflag:s0] =	ssyncadd.tile.s32 @!p0 $0x1;
	_ =	shalt  }
.Lfunc_end2:
_tile_overlayer_lowered:
.L_overlay_start_2:
0x423: {  	(tag) =	ssettag $0x2  }
0x424: {  	s0 =	rddreg [dreg:$0x0];
	s2 =	stileid.u32  }
0x425: {  	s1 =	rddreg [dreg:$0x1];
	p0 =	sne.s32 s2, $0x0  }
0x426: {  	s3 =	rddreg [dreg:$0x2];
	[bflag:$0x3] =	sbarrier.arrive $0xFFFF;
	s2 =	simm.s32 @!p0 $0x1C05  }
0x427: {  	[timem:s3], [sflag:s2] =	dma.local @!p0 [hbm:s0], s1  }
0x428: {  	s0 =	simm.s32 @!p0 $0x5  }
0x429: {  	_ =	swait.ge @!p0 [sflag:s0], s1  }
0x42a: {  	s1 =	ssub.s32 @!p0 $0x0, s1;
	[sflag:s0] =	ssyncset.done @!p0 $0x0  }
0x42b: {  	[sflag:s0] =	ssyncadd.s32 @!p0 s1  }
0x42c: {  	[bflag:$0x3] =	sbarrier.arrive $0xFFFF  }
0x42d: {  	_ =	shalt  }

</sc_bundles>
